<compile_context>
chip_gen: v7x
topology: tpu7x:2x2x1
jax: 0.10.2.dev20260603
libtpu: 0.0.44.dev20260713+nightly
codegen_flags: <defaults>
</compile_context>

<pallas_src>
import functools

import jax
import jax.numpy as jnp
from jax import lax
from jax.experimental import pallas as pl
from jax.experimental.pallas import tpu as pltpu
from jax.experimental.pallas import tpu_sc as plsc

_E = 1600000
_K = 20
_S = 25000

_TB = 3200
_SB = 128

_NW = 32
_IB = 125
_NI = 16
_CH = _IB * _NI
_NOUT = _E // (_NW * _CH)



def _sc_body(alpha3_hbm, idx2_hbm, zeros_hbm, out_hbm, rows_v, idx_v, acc_sh):
    cid = lax.axis_index("c")
    sid = lax.axis_index("s")
    wid = sid * 2 + cid

    @pl.when(sid == 0)
    def _zero():
        pltpu.sync_copy(zeros_hbm, acc_sh)

    plsc.subcore_barrier()

    def body(it, carry):
        chunk = wid * _NOUT + it
        pltpu.sync_copy(alpha3_hbm.at[pl.ds(chunk * _NI, _NI), :, :], rows_v)
        pltpu.sync_copy(idx2_hbm.at[pl.ds(chunk * _NI, _NI), :], idx_v)
        for j in range(_NI):
            pltpu.sync_copy(rows_v.at[j], acc_sh.at[idx_v.at[j]], add=True)
        return carry

    lax.fori_loop(0, _NOUT, body, 0)

    plsc.subcore_barrier()

    @pl.when(sid == 0)
    def _dump():
        pltpu.sync_copy(acc_sh, out_hbm.at[cid])


def _sc_alpha_sums(log_alpha, idx2, zeros):
    mesh = plsc.VectorSubcoreMesh(core_axis_name="c", subcore_axis_name="s")
    f = functools.partial(
        pl.kernel, mesh=mesh,
        compiler_params=pltpu.CompilerParams(use_tc_tiling_on_sc=False),
        out_type=jax.ShapeDtypeStruct((2, _S, _K), jnp.float32),
        scratch_types=[
            pltpu.VMEM((_NI, _IB, _K), jnp.float32),
            pltpu.VMEM((_NI, _IB), jnp.int32),
            pltpu.VMEM_SHARED((_S, _K), jnp.float32),
        ],
    )(_sc_body)
    return f(log_alpha, idx2, zeros)



def _tc_kernel(theta_ref, label_ref, idx_ref, out_ref, acc_ref,
               vals_ref, *, nsteps, k, sb):
    t = pl.program_id(0)

    @pl.when(t == 0)
    def _init():
        acc_ref[...] = jnp.zeros_like(acc_ref)

    th = theta_ref[...]
    y = label_ref[0]
    adj = (jnp.maximum(th, 0.0) - th * y
           + jnp.log1p(jnp.exp(-jnp.abs(th))))
    vals_ref[0:k, :] = adj
    vals_ref[k:k + 1, :] = jnp.ones_like(y)
    vals = vals_ref[...]

    ii = idx_ref[0]
    iw = ii // sb
    w_lo = jnp.min(iw)
    n_w = jnp.max(iw) - w_lo + 1

    srow = lax.broadcasted_iota(jnp.int32, (sb, ii.shape[1]), 0)

    def body(j, _):
        w = w_lo + j
        oh = jnp.where(ii - w * sb == srow, 1.0, 0.0)
        part = lax.dot_general(oh, vals, (((1,), (1,)), ((), ())),
                               preferred_element_type=jnp.float32)
        acc_ref[pl.ds(w * sb, sb), :] += part
        return 0

    lax.fori_loop(0, n_w, body, 0)

    @pl.when(t == nsteps - 1)
    def _copy_out():
        out_ref[...] = acc_ref[...]


def _tc_adj_count(log_theta_t, label3, idx3, *, e, k, tb, sb):
    nsteps = e // tb
    sp = (-(-_S // sb)) * sb
    return pl.pallas_call(
        functools.partial(_tc_kernel, nsteps=nsteps, k=k, sb=sb),
        grid=(nsteps,),
        in_specs=[
            pl.BlockSpec((k, tb), lambda t: (0, t)),
            pl.BlockSpec((1, 1, tb), lambda t: (t, 0, 0)),
            pl.BlockSpec((1, 1, tb), lambda t: (t, 0, 0)),
        ],
        out_specs=pl.BlockSpec((sp, k + 1), lambda t: (0, 0)),
        out_shape=jax.ShapeDtypeStruct((sp, k + 1), jnp.float32),
        scratch_shapes=[
            pltpu.VMEM((sp, k + 1), jnp.float32),
            pltpu.VMEM((k + 1, tb), jnp.float32),
        ],
    )(log_theta_t, label3, idx3)


def _epi_kernel(acc_ref, a0_ref, a1_ref, out_ref, tot_ref, *,
                nsteps, k, e_total):
    t = pl.program_id(0)

    @pl.when(t == 0)
    def _init():
        tot_ref[0, 0] = 0.0

    a = acc_ref[...]
    ra = a[:, 0:k]
    cnt = a[:, k:k + 1]
    la = (a0_ref[...] + a1_ref[...]) / jnp.maximum(cnt, 1.0)
    m1 = jnp.max(la, axis=1, keepdims=True)
    lse1 = m1 + jnp.log(jnp.sum(jnp.exp(la - m1), axis=1, keepdims=True))
    lp = -ra + (la - lse1)
    m2 = jnp.max(lp, axis=1, keepdims=True)
    lpe = m2 + jnp.log(jnp.sum(jnp.exp(lp - m2), axis=1, keepdims=True))
    tot_ref[0, 0] += jnp.sum(lpe)

    @pl.when(t == nsteps - 1)
    def _fin():
        out_ref[...] = jnp.full((1, 1), tot_ref[0, 0] * (-1.0 / e_total),
                                dtype=jnp.float32)


def _tc_epilogue(acc, a0, a1, *, s, k, e_total):
    chs = 1000
    nsteps = s // chs
    return pl.pallas_call(
        functools.partial(_epi_kernel, nsteps=nsteps, k=k, e_total=e_total),
        grid=(nsteps,),
        in_specs=[
            pl.BlockSpec((chs, k + 1), lambda t: (t, 0)),
            pl.BlockSpec((chs, k), lambda t: (t, 0)),
            pl.BlockSpec((chs, k), lambda t: (t, 0)),
        ],
        out_specs=pl.BlockSpec((1, 1), lambda t: (0, 0)),
        out_shape=jax.ShapeDtypeStruct((1, 1), jnp.float32),
        scratch_shapes=[pltpu.SMEM((1, 1), jnp.float32)],
    )(acc, a0, a1)


@jax.jit
def _run(label, log_theta, log_alpha, subgraph_idx):
    e, k, s, tb, sb = _E, _K, _S, _TB, _SB
    nsteps = e // tb
    idx2 = subgraph_idx.reshape(e // _IB, _IB)
    zeros = jnp.zeros((s, k), jnp.float32)
    alpha3 = log_alpha.reshape(-1).reshape(_E // _IB, _IB, _K)
    a01 = _sc_alpha_sums(alpha3, idx2, zeros)
    acc = _tc_adj_count(log_theta.T,
                        label.reshape(nsteps, 1, tb),
                        subgraph_idx.reshape(nsteps, 1, tb),
                        e=e, k=k, tb=tb, sb=sb)
    out = _tc_epilogue(acc[:s], a01[0], a01[1], s=s, k=k, e_total=float(e))
    return a01[0, 0, 0]


def kernel(label, log_theta, log_alpha, subgraph_idx):
    return _run(label, log_theta, log_alpha, subgraph_idx)

# --- scband reference (transcript-rebuilt; emitter-appended) ---
"""Pipeline reference for scband-granmixture-bernoulli-2276332667422 (READ-ONLY COPY).

The authoritative reference and input builder live on the scoring server;
editing this copy changes nothing except your own understanding.
"""

import jax, jax.numpy as jnp
import numpy as np

E = 1600000
K = 20
NUM_SUBGRAPH = 25000


def bce_with_logits(logits, targets):
    # elementwise BCEWithLogitsLoss(reduction='none')
    return jnp.maximum(logits, 0.0) - logits * targets + jnp.log1p(jnp.exp(-jnp.abs(logits)))


def setup_inputs(seed: int = 0) -> dict:
    key = jax.random.key(seed)
    k1, k2, k3, k4 = jax.random.split(key, 4)
    label = jax.random.uniform(k1, (E,), dtype=jnp.float32)
    log_theta = jax.random.normal(k2, (E, K), dtype=jnp.float32)
    log_alpha = jax.random.normal(k3, (E, K), dtype=jnp.float32)
    subgraph_idx = jnp.sort(jax.random.randint(k4, (E,), 0, NUM_SUBGRAPH, dtype=jnp.int32))
    return {"label": label, "log_theta": log_theta, "log_alpha": log_alpha, "subgraph_idx": subgraph_idx}


def reference(label, log_theta, log_alpha, subgraph_idx):
    # mixture_bernoulli_loss: negative log likelihood of mixture of Bernoulli model
    num_subgraph = NUM_SUBGRAPH  # static for jit (torch uses subgraph_idx.max()+1)
    Kc = log_theta.shape[1]
    # torch.stack([adj_loss_func(log_theta[:, kk], label) for kk in range(K)], dim=1)
    adj_loss = bce_with_logits(log_theta, label[:, None])  # E x K
    # const = zeros(S).scatter_add(0, subgraph_idx, ones)
    const = jax.ops.segment_sum(jnp.ones_like(label), subgraph_idx, num_segments=num_subgraph)
    # reduce_adj_loss = zeros(S,K).scatter_add(0, idx.expand(-1,K), adj_loss)
    reduce_adj_loss = jax.ops.segment_sum(adj_loss, subgraph_idx, num_segments=num_subgraph)
    reduce_log_alpha = jax.ops.segment_sum(log_alpha, subgraph_idx, num_segments=num_subgraph)
    # guard against empty segments (torch would produce NaN; all segments are non-empty here)
    reduce_log_alpha = reduce_log_alpha / jnp.maximum(const, 1.0)[:, None]
    reduce_log_alpha = jax.nn.log_softmax(reduce_log_alpha, axis=-1)
    log_prob = -reduce_adj_loss + reduce_log_alpha
    log_prob = jax.scipy.special.logsumexp(log_prob, axis=1)
    loss = -jnp.sum(log_prob) / float(log_theta.shape[0])
    return loss

if __name__ == "__main__":
    import jax
    _d = setup_inputs()
    print(jax.jit(kernel)(*tuple(_d.values())))

</pallas_src>

<mosaic_0001>
#map = affine_map<(d0, d1) -> (0, 0, 0)>
#map1 = affine_map<(d0, d1) -> (0, 0)>
module attributes {stable_mosaic.version = 14 : i64} {
  func.func @_sc_body(%arg0: i32, %arg1: i32, %arg2: memref<12800x125x20xf32, #tpu.memory_space<hbm>>, %arg3: memref<12800x125xi32, #tpu.memory_space<hbm>>, %arg4: memref<25000x20xf32, #tpu.memory_space<hbm>>, %arg5: memref<2x25000x20xf32, #tpu.memory_space<hbm>>, %arg6: memref<16x125x20xf32, #tpu.memory_space<vmem>>, %arg7: memref<16x125xi32, #tpu.memory_space<vmem>>, %arg8: memref<25000x20xf32, #tpu.memory_space<vmem_shared>>) attributes {dimension_semantics = [#tpu.dimension_semantics<core_parallel>, #tpu.dimension_semantics<subcore_parallel>], iteration_bounds = array<i64: 2, 16>, scalar_prefetch = 0 : i64, scratch_operands = 3 : i64, tpu.core_type = #tpu.core_type<sc_vector_subcore>, window_params = [{transform_indices = #map}, {transform_indices = #map1}, {transform_indices = #map1}, {transform_indices = #map}]} {
    %mul3A = arith.constant 2 : i32
    %mul3A_0 = arith.muli %arg1, %mul3A : i32
    %add3A = arith.addi %mul3A_0, %arg0 : i32
    %eq3A = arith.constant 0 : i32
    %eq3A_1 = arith.cmpi eq, %arg1, %eq3A : i32
    %convert_element_type3A = arith.extui %eq3A_1 : i1 to i32
    %cond3A = arith.constant 0 : i32
    %cond3A_2 = arith.cmpi ne, %convert_element_type3A, %cond3A : i32
    scf.if %cond3A_2 {
      "tpu.region"() ({
        %run_scoped3A = tpu.sem_alloc : memref<!tpu.dma_semaphore, #tpu.memory_space<semaphore_mem>>
        tpu.enqueue_dma source(%arg4 : memref<25000x20xf32, #tpu.memory_space<hbm>>) target(%arg8 : memref<25000x20xf32, #tpu.memory_space<vmem_shared>>) target_semaphore(%run_scoped3A : memref<!tpu.dma_semaphore, #tpu.memory_space<semaphore_mem>>)
        tpu.wait_dma2 semaphore(%run_scoped3A : memref<!tpu.dma_semaphore, #tpu.memory_space<semaphore_mem>>) src(%arg4 : memref<25000x20xf32, #tpu.memory_space<hbm>>) dst(%arg8 : memref<25000x20xf32, #tpu.memory_space<vmem_shared>>)
        tpu.yield
      }) : () -> ()
    } else {
    }
    %barrier3A = arith.constant 0 : index
    tpu.barrier barrier_id(%barrier3A)
    %scan3A = arith.constant 0 : i32
    %scan3A_3 = arith.constant 0 : i32
    %scan3A_4 = arith.constant 25 : i32
    %scan3A_5 = arith.addi %scan3A_3, %scan3A_4 : i32
    %scan3A_6 = arith.constant 1 : i32
    scf.for %scan3A_14 = %scan3A_3 to %scan3A_5 step %scan3A_6  : i32 {
      %mul3A_15 = arith.constant 25 : i32
      %mul3A_16 = arith.muli %add3A, %mul3A_15 : i32
      %add3A_17 = arith.addi %mul3A_16, %scan3A_14 : i32
      %mul3A_18 = arith.constant 16 : i32
      %mul3A_19 = arith.muli %add3A_17, %mul3A_18 : i32
      "tpu.region"() ({
        %run_scoped3A_53 = tpu.sem_alloc : memref<!tpu.dma_semaphore, #tpu.memory_space<semaphore_mem>>
        %dma_start3A = arith.constant 0 : i32
        %dma_start3A_54 = arith.constant 0 : i32
        %dma_start3A_55 = tpu.memref_slice %arg2[%mul3A_19, %dma_start3A, %dma_start3A_54] : memref<12800x125x20xf32, #tpu.memory_space<hbm>> -> memref<16x125x20xf32, #tpu.memory_space<hbm>>
        %dma_start3A_56 = arith.constant 0 : i32
        %dma_start3A_57 = arith.constant 0 : i32
        %dma_start3A_58 = tpu.memref_slice %arg2[%mul3A_19, %dma_start3A_56, %dma_start3A_57] : memref<12800x125x20xf32, #tpu.memory_space<hbm>> -> memref<16x125x20xf32, #tpu.memory_space<hbm>>
        tpu.enqueue_dma source(%dma_start3A_58 : memref<16x125x20xf32, #tpu.memory_space<hbm>>) target(%arg6 : memref<16x125x20xf32, #tpu.memory_space<vmem>>) target_semaphore(%run_scoped3A_53 : memref<!tpu.dma_semaphore, #tpu.memory_space<semaphore_mem>>)
        %dma_wait3A = arith.constant 0 : i32
        %dma_wait3A_59 = arith.constant 0 : i32
        %dma_wait3A_60 = tpu.memref_slice %arg2[%mul3A_19, %dma_wait3A, %dma_wait3A_59] : memref<12800x125x20xf32, #tpu.memory_space<hbm>> -> memref<16x125x20xf32, #tpu.memory_space<hbm>>
        %dma_wait3A_61 = arith.constant 0 : i32
        %dma_wait3A_62 = arith.constant 0 : i32
        %dma_wait3A_63 = tpu.memref_slice %arg2[%mul3A_19, %dma_wait3A_61, %dma_wait3A_62] : memref<12800x125x20xf32, #tpu.memory_space<hbm>> -> memref<16x125x20xf32, #tpu.memory_space<hbm>>
        tpu.wait_dma2 semaphore(%run_scoped3A_53 : memref<!tpu.dma_semaphore, #tpu.memory_space<semaphore_mem>>) src(%dma_wait3A_63 : memref<16x125x20xf32, #tpu.memory_space<hbm>>) dst(%arg6 : memref<16x125x20xf32, #tpu.memory_space<vmem>>)
        tpu.yield
      }) : () -> ()
      %mul3A_20 = arith.constant 16 : i32
      %mul3A_21 = arith.muli %add3A_17, %mul3A_20 : i32
      "tpu.region"() ({
        %run_scoped3A_53 = tpu.sem_alloc : memref<!tpu.dma_semaphore, #tpu.memory_space<semaphore_mem>>
        %dma_start3A = arith.constant 0 : i32
        %dma_start3A_54 = tpu.memref_slice %arg3[%mul3A_21, %dma_start3A] : memref<12800x125xi32, #tpu.memory_space<hbm>> -> memref<16x125xi32, #tpu.memory_space<hbm>>
        %dma_start3A_55 = arith.constant 0 : i32
        %dma_start3A_56 = tpu.memref_slice %arg3[%mul3A_21, %dma_start3A_55] : memref<12800x125xi32, #tpu.memory_space<hbm>> -> memref<16x125xi32, #tpu.memory_space<hbm>>
        tpu.enqueue_dma source(%dma_start3A_56 : memref<16x125xi32, #tpu.memory_space<hbm>>) target(%arg7 : memref<16x125xi32, #tpu.memory_space<vmem>>) target_semaphore(%run_scoped3A_53 : memref<!tpu.dma_semaphore, #tpu.memory_space<semaphore_mem>>)
        %dma_wait3A = arith.constant 0 : i32
        %dma_wait3A_57 = tpu.memref_slice %arg3[%mul3A_21, %dma_wait3A] : memref<12800x125xi32, #tpu.memory_space<hbm>> -> memref<16x125xi32, #tpu.memory_space<hbm>>
        %dma_wait3A_58 = arith.constant 0 : i32
        %dma_wait3A_59 = tpu.memref_slice %arg3[%mul3A_21, %dma_wait3A_58] : memref<12800x125xi32, #tpu.memory_space<hbm>> -> memref<16x125xi32, #tpu.memory_space<hbm>>
        tpu.wait_dma2 semaphore(%run_scoped3A_53 : memref<!tpu.dma_semaphore, #tpu.memory_space<semaphore_mem>>) src(%dma_wait3A_59 : memref<16x125xi32, #tpu.memory_space<hbm>>) dst(%arg7 : memref<16x125xi32, #tpu.memory_space<vmem>>)
        tpu.yield
      }) : () -> ()
      %run_scoped3A = arith.constant 0 : i32
      %run_scoped3A_22 = arith.constant 0 : i32
      "tpu.region"() ({
        %run_scoped3A_53 = tpu.sem_alloc : memref<!tpu.dma_semaphore, #tpu.memory_space<semaphore_mem>>
        %dma_start3A = arith.constant 0 : i32
        %dma_start3A_54 = arith.constant 0 : i32
        %dma_start3A_55 = tpu.memref_slice %arg6[%run_scoped3A, %dma_start3A, %dma_start3A_54] : memref<16x125x20xf32, #tpu.memory_space<vmem>> -> memref<1x125x20xf32, #tpu.memory_space<vmem>>
        %dma_start3A_56 = tpu.memref_squeeze %dma_start3A_55 : memref<1x125x20xf32, #tpu.memory_space<vmem>> -> memref<125x20xf32, #tpu.memory_space<vmem>>
        %dma_start3A_57 = arith.constant 0 : i32
        %dma_start3A_58 = tpu.memref_slice %arg7[%run_scoped3A_22, %dma_start3A_57] : memref<16x125xi32, #tpu.memory_space<vmem>> -> memref<1x125xi32, #tpu.memory_space<vmem>>
        %dma_start3A_59 = tpu.memref_squeeze %dma_start3A_58 : memref<1x125xi32, #tpu.memory_space<vmem>> -> memref<125xi32, #tpu.memory_space<vmem>>
        %dma_start3A_60 = arith.constant 0 : i32
        %dma_start3A_61 = arith.constant 0 : i32
        %dma_start3A_62 = tpu.memref_slice %arg8[%dma_start3A_60, %dma_start3A_61] : memref<25000x20xf32, #tpu.memory_space<vmem_shared>> -> memref<25000x20xf32, #tpu.memory_space<vmem_shared>>
        tpu.enqueue_indirect_dma source(%dma_start3A_56 : memref<125x20xf32, #tpu.memory_space<vmem>>) target(%dma_start3A_62 : memref<25000x20xf32, #tpu.memory_space<vmem_shared>>) offsets(%dma_start3A_59 : memref<125xi32, #tpu.memory_space<vmem>>) semaphore(%run_scoped3A_53 : memref<!tpu.dma_semaphore, #tpu.memory_space<semaphore_mem>>) {add = true}
        %dma_wait3A = arith.constant 0 : i32
        %dma_wait3A_63 = arith.constant 0 : i32
        %dma_wait3A_64 = tpu.memref_slice %arg6[%run_scoped3A, %dma_wait3A, %dma_wait3A_63] : memref<16x125x20xf32, #tpu.memory_space<vmem>> -> memref<1x125x20xf32, #tpu.memory_space<vmem>>
        %dma_wait3A_65 = tpu.memref_squeeze %dma_wait3A_64 : memref<1x125x20xf32, #tpu.memory_space<vmem>> -> memref<125x20xf32, #tpu.memory_space<vmem>>
        %dma_wait3A_66 = arith.constant 0 : i32
        %dma_wait3A_67 = tpu.memref_slice %arg7[%run_scoped3A_22, %dma_wait3A_66] : memref<16x125xi32, #tpu.memory_space<vmem>> -> memref<1x125xi32, #tpu.memory_space<vmem>>
        %dma_wait3A_68 = tpu.memref_squeeze %dma_wait3A_67 : memref<1x125xi32, #tpu.memory_space<vmem>> -> memref<125xi32, #tpu.memory_space<vmem>>
        %dma_wait3A_69 = arith.constant 0 : i32
        %dma_wait3A_70 = arith.constant 0 : i32
        %dma_wait3A_71 = tpu.memref_slice %arg8[%dma_wait3A_69, %dma_wait3A_70] : memref<25000x20xf32, #tpu.memory_space<vmem_shared>> -> memref<25000x20xf32, #tpu.memory_space<vmem_shared>>
        tpu.wait_indirect_dma semaphore(%run_scoped3A_53 : memref<!tpu.dma_semaphore, #tpu.memory_space<semaphore_mem>>) src(%dma_wait3A_65 : memref<125x20xf32, #tpu.memory_space<vmem>>) dst(%dma_wait3A_71 : memref<25000x20xf32, #tpu.memory_space<vmem_shared>>)
        tpu.yield
      }) : () -> ()
      %run_scoped3A_23 = arith.constant 1 : i32
      %run_scoped3A_24 = arith.constant 1 : i32
      "tpu.region"() ({
        %run_scoped3A_53 = tpu.sem_alloc : memref<!tpu.dma_semaphore, #tpu.memory_space<semaphore_mem>>
        %dma_start3A = arith.constant 0 : i32
        %dma_start3A_54 = arith.constant 0 : i32
        %dma_start3A_55 = tpu.memref_slice %arg6[%run_scoped3A_23, %dma_start3A, %dma_start3A_54] : memref<16x125x20xf32, #tpu.memory_space<vmem>> -> memref<1x125x20xf32, #tpu.memory_space<vmem>>
        %dma_start3A_56 = tpu.memref_squeeze %dma_start3A_55 : memref<1x125x20xf32, #tpu.memory_space<vmem>> -> memref<125x20xf32, #tpu.memory_space<vmem>>
        %dma_start3A_57 = arith.constant 0 : i32
        %dma_start3A_58 = tpu.memref_slice %arg7[%run_scoped3A_24, %dma_start3A_57] : memref<16x125xi32, #tpu.memory_space<vmem>> -> memref<1x125xi32, #tpu.memory_space<vmem>>
        %dma_start3A_59 = tpu.memref_squeeze %dma_start3A_58 : memref<1x125xi32, #tpu.memory_space<vmem>> -> memref<125xi32, #tpu.memory_space<vmem>>
        %dma_start3A_60 = arith.constant 0 : i32
        %dma_start3A_61 = arith.constant 0 : i32
        %dma_start3A_62 = tpu.memref_slice %arg8[%dma_start3A_60, %dma_start3A_61] : memref<25000x20xf32, #tpu.memory_space<vmem_shared>> -> memref<25000x20xf32, #tpu.memory_space<vmem_shared>>
        tpu.enqueue_indirect_dma source(%dma_start3A_56 : memref<125x20xf32, #tpu.memory_space<vmem>>) target(%dma_start3A_62 : memref<25000x20xf32, #tpu.memory_space<vmem_shared>>) offsets(%dma_start3A_59 : memref<125xi32, #tpu.memory_space<vmem>>) semaphore(%run_scoped3A_53 : memref<!tpu.dma_semaphore, #tpu.memory_space<semaphore_mem>>) {add = true}
        %dma_wait3A = arith.constant 0 : i32
        %dma_wait3A_63 = arith.constant 0 : i32
        %dma_wait3A_64 = tpu.memref_slice %arg6[%run_scoped3A_23, %dma_wait3A, %dma_wait3A_63] : memref<16x125x20xf32, #tpu.memory_space<vmem>> -> memref<1x125x20xf32, #tpu.memory_space<vmem>>
        %dma_wait3A_65 = tpu.memref_squeeze %dma_wait3A_64 : memref<1x125x20xf32, #tpu.memory_space<vmem>> -> memref<125x20xf32, #tpu.memory_space<vmem>>
        %dma_wait3A_66 = arith.constant 0 : i32
        %dma_wait3A_67 = tpu.memref_slice %arg7[%run_scoped3A_24, %dma_wait3A_66] : memref<16x125xi32, #tpu.memory_space<vmem>> -> memref<1x125xi32, #tpu.memory_space<vmem>>
        %dma_wait3A_68 = tpu.memref_squeeze %dma_wait3A_67 : memref<1x125xi32, #tpu.memory_space<vmem>> -> memref<125xi32, #tpu.memory_space<vmem>>
        %dma_wait3A_69 = arith.constant 0 : i32
        %dma_wait3A_70 = arith.constant 0 : i32
        %dma_wait3A_71 = tpu.memref_slice %arg8[%dma_wait3A_69, %dma_wait3A_70] : memref<25000x20xf32, #tpu.memory_space<vmem_shared>> -> memref<25000x20xf32, #tpu.memory_space<vmem_shared>>
        tpu.wait_indirect_dma semaphore(%run_scoped3A_53 : memref<!tpu.dma_semaphore, #tpu.memory_space<semaphore_mem>>) src(%dma_wait3A_65 : memref<125x20xf32, #tpu.memory_space<vmem>>) dst(%dma_wait3A_71 : memref<25000x20xf32, #tpu.memory_space<vmem_shared>>)
        tpu.yield
      }) : () -> ()
      %run_scoped3A_25 = arith.constant 2 : i32
      %run_scoped3A_26 = arith.constant 2 : i32
      "tpu.region"() ({
        %run_scoped3A_53 = tpu.sem_alloc : memref<!tpu.dma_semaphore, #tpu.memory_space<semaphore_mem>>
        %dma_start3A = arith.constant 0 : i32
        %dma_start3A_54 = arith.constant 0 : i32
        %dma_start3A_55 = tpu.memref_slice %arg6[%run_scoped3A_25, %dma_start3A, %dma_start3A_54] : memref<16x125x20xf32, #tpu.memory_space<vmem>> -> memref<1x125x20xf32, #tpu.memory_space<vmem>>
        %dma_start3A_56 = tpu.memref_squeeze %dma_start3A_55 : memref<1x125x20xf32, #tpu.memory_space<vmem>> -> memref<125x20xf32, #tpu.memory_space<vmem>>
        %dma_start3A_57 = arith.constant 0 : i32
        %dma_start3A_58 = tpu.memref_slice %arg7[%run_scoped3A_26, %dma_start3A_57] : memref<16x125xi32, #tpu.memory_space<vmem>> -> memref<1x125xi32, #tpu.memory_space<vmem>>
        %dma_start3A_59 = tpu.memref_squeeze %dma_start3A_58 : memref<1x125xi32, #tpu.memory_space<vmem>> -> memref<125xi32, #tpu.memory_space<vmem>>
        %dma_start3A_60 = arith.constant 0 : i32
        %dma_start3A_61 = arith.constant 0 : i32
        %dma_start3A_62 = tpu.memref_slice %arg8[%dma_start3A_60, %dma_start3A_61] : memref<25000x20xf32, #tpu.memory_space<vmem_shared>> -> memref<25000x20xf32, #tpu.memory_space<vmem_shared>>
        tpu.enqueue_indirect_dma source(%dma_start3A_56 : memref<125x20xf32, #tpu.memory_space<vmem>>) target(%dma_start3A_62 : memref<25000x20xf32, #tpu.memory_space<vmem_shared>>) offsets(%dma_start3A_59 : memref<125xi32, #tpu.memory_space<vmem>>) semaphore(%run_scoped3A_53 : memref<!tpu.dma_semaphore, #tpu.memory_space<semaphore_mem>>) {add = true}
        %dma_wait3A = arith.constant 0 : i32
        %dma_wait3A_63 = arith.constant 0 : i32
        %dma_wait3A_64 = tpu.memref_slice %arg6[%run_scoped3A_25, %dma_wait3A, %dma_wait3A_63] : memref<16x125x20xf32, #tpu.memory_space<vmem>> -> memref<1x125x20xf32, #tpu.memory_space<vmem>>
        %dma_wait3A_65 = tpu.memref_squeeze %dma_wait3A_64 : memref<1x125x20xf32, #tpu.memory_space<vmem>> -> memref<125x20xf32, #tpu.memory_space<vmem>>
        %dma_wait3A_66 = arith.constant 0 : i32
        %dma_wait3A_67 = tpu.memref_slice %arg7[%run_scoped3A_26, %dma_wait3A_66] : memref<16x125xi32, #tpu.memory_space<vmem>> -> memref<1x125xi32, #tpu.memory_space<vmem>>
        %dma_wait3A_68 = tpu.memref_squeeze %dma_wait3A_67 : memref<1x125xi32, #tpu.memory_space<vmem>> -> memref<125xi32, #tpu.memory_space<vmem>>
        %dma_wait3A_69 = arith.constant 0 : i32
        %dma_wait3A_70 = arith.constant 0 : i32
        %dma_wait3A_71 = tpu.memref_slice %arg8[%dma_wait3A_69, %dma_wait3A_70] : memref<25000x20xf32, #tpu.memory_space<vmem_shared>> -> memref<25000x20xf32, #tpu.memory_space<vmem_shared>>
        tpu.wait_indirect_dma semaphore(%run_scoped3A_53 : memref<!tpu.dma_semaphore, #tpu.memory_space<semaphore_mem>>) src(%dma_wait3A_65 : memref<125x20xf32, #tpu.memory_space<vmem>>) dst(%dma_wait3A_71 : memref<25000x20xf32, #tpu.memory_space<vmem_shared>>)
        tpu.yield
      }) : () -> ()
      %run_scoped3A_27 = arith.constant 3 : i32
      %run_scoped3A_28 = arith.constant 3 : i32
      "tpu.region"() ({
        %run_scoped3A_53 = tpu.sem_alloc : memref<!tpu.dma_semaphore, #tpu.memory_space<semaphore_mem>>
        %dma_start3A = arith.constant 0 : i32
        %dma_start3A_54 = arith.constant 0 : i32
        %dma_start3A_55 = tpu.memref_slice %arg6[%run_scoped3A_27, %dma_start3A, %dma_start3A_54] : memref<16x125x20xf32, #tpu.memory_space<vmem>> -> memref<1x125x20xf32, #tpu.memory_space<vmem>>
        %dma_start3A_56 = tpu.memref_squeeze %dma_start3A_55 : memref<1x125x20xf32, #tpu.memory_space<vmem>> -> memref<125x20xf32, #tpu.memory_space<vmem>>
        %dma_start3A_57 = arith.constant 0 : i32
        %dma_start3A_58 = tpu.memref_slice %arg7[%run_scoped3A_28, %dma_start3A_57] : memref<16x125xi32, #tpu.memory_space<vmem>> -> memref<1x125xi32, #tpu.memory_space<vmem>>
        %dma_start3A_59 = tpu.memref_squeeze %dma_start3A_58 : memref<1x125xi32, #tpu.memory_space<vmem>> -> memref<125xi32, #tpu.memory_space<vmem>>
        %dma_start3A_60 = arith.constant 0 : i32
        %dma_start3A_61 = arith.constant 0 : i32
        %dma_start3A_62 = tpu.memref_slice %arg8[%dma_start3A_60, %dma_start3A_61] : memref<25000x20xf32, #tpu.memory_space<vmem_shared>> -> memref<25000x20xf32, #tpu.memory_space<vmem_shared>>
        tpu.enqueue_indirect_dma source(%dma_start3A_56 : memref<125x20xf32, #tpu.memory_space<vmem>>) target(%dma_start3A_62 : memref<25000x20xf32, #tpu.memory_space<vmem_shared>>) offsets(%dma_start3A_59 : memref<125xi32, #tpu.memory_space<vmem>>) semaphore(%run_scoped3A_53 : memref<!tpu.dma_semaphore, #tpu.memory_space<semaphore_mem>>) {add = true}
        %dma_wait3A = arith.constant 0 : i32
        %dma_wait3A_63 = arith.constant 0 : i32
        %dma_wait3A_64 = tpu.memref_slice %arg6[%run_scoped3A_27, %dma_wait3A, %dma_wait3A_63] : memref<16x125x20xf32, #tpu.memory_space<vmem>> -> memref<1x125x20xf32, #tpu.memory_space<vmem>>
        %dma_wait3A_65 = tpu.memref_squeeze %dma_wait3A_64 : memref<1x125x20xf32, #tpu.memory_space<vmem>> -> memref<125x20xf32, #tpu.memory_space<vmem>>
        %dma_wait3A_66 = arith.constant 0 : i32
        %dma_wait3A_67 = tpu.memref_slice %arg7[%run_scoped3A_28, %dma_wait3A_66] : memref<16x125xi32, #tpu.memory_space<vmem>> -> memref<1x125xi32, #tpu.memory_space<vmem>>
        %dma_wait3A_68 = tpu.memref_squeeze %dma_wait3A_67 : memref<1x125xi32, #tpu.memory_space<vmem>> -> memref<125xi32, #tpu.memory_space<vmem>>
        %dma_wait3A_69 = arith.constant 0 : i32
        %dma_wait3A_70 = arith.constant 0 : i32
        %dma_wait3A_71 = tpu.memref_slice %arg8[%dma_wait3A_69, %dma_wait3A_70] : memref<25000x20xf32, #tpu.memory_space<vmem_shared>> -> memref<25000x20xf32, #tpu.memory_space<vmem_shared>>
        tpu.wait_indirect_dma semaphore(%run_scoped3A_53 : memref<!tpu.dma_semaphore, #tpu.memory_space<semaphore_mem>>) src(%dma_wait3A_65 : memref<125x20xf32, #tpu.memory_space<vmem>>) dst(%dma_wait3A_71 : memref<25000x20xf32, #tpu.memory_space<vmem_shared>>)
        tpu.yield
      }) : () -> ()
      %run_scoped3A_29 = arith.constant 4 : i32
      %run_scoped3A_30 = arith.constant 4 : i32
      "tpu.region"() ({
        %run_scoped3A_53 = tpu.sem_alloc : memref<!tpu.dma_semaphore, #tpu.memory_space<semaphore_mem>>
        %dma_start3A = arith.constant 0 : i32
        %dma_start3A_54 = arith.constant 0 : i32
        %dma_start3A_55 = tpu.memref_slice %arg6[%run_scoped3A_29, %dma_start3A, %dma_start3A_54] : memref<16x125x20xf32, #tpu.memory_space<vmem>> -> memref<1x125x20xf32, #tpu.memory_space<vmem>>
        %dma_start3A_56 = tpu.memref_squeeze %dma_start3A_55 : memref<1x125x20xf32, #tpu.memory_space<vmem>> -> memref<125x20xf32, #tpu.memory_space<vmem>>
        %dma_start3A_57 = arith.constant 0 : i32
        %dma_start3A_58 = tpu.memref_slice %arg7[%run_scoped3A_30, %dma_start3A_57] : memref<16x125xi32, #tpu.memory_space<vmem>> -> memref<1x125xi32, #tpu.memory_space<vmem>>
        %dma_start3A_59 = tpu.memref_squeeze %dma_start3A_58 : memref<1x125xi32, #tpu.memory_space<vmem>> -> memref<125xi32, #tpu.memory_space<vmem>>
        %dma_start3A_60 = arith.constant 0 : i32
        %dma_start3A_61 = arith.constant 0 : i32
        %dma_start3A_62 = tpu.memref_slice %arg8[%dma_start3A_60, %dma_start3A_61] : memref<25000x20xf32, #tpu.memory_space<vmem_shared>> -> memref<25000x20xf32, #tpu.memory_space<vmem_shared>>
        tpu.enqueue_indirect_dma source(%dma_start3A_56 : memref<125x20xf32, #tpu.memory_space<vmem>>) target(%dma_start3A_62 : memref<25000x20xf32, #tpu.memory_space<vmem_shared>>) offsets(%dma_start3A_59 : memref<125xi32, #tpu.memory_space<vmem>>) semaphore(%run_scoped3A_53 : memref<!tpu.dma_semaphore, #tpu.memory_space<semaphore_mem>>) {add = true}
        %dma_wait3A = arith.constant 0 : i32
        %dma_wait3A_63 = arith.constant 0 : i32
        %dma_wait3A_64 = tpu.memref_slice %arg6[%run_scoped3A_29, %dma_wait3A, %dma_wait3A_63] : memref<16x125x20xf32, #tpu.memory_space<vmem>> -> memref<1x125x20xf32, #tpu.memory_space<vmem>>
        %dma_wait3A_65 = tpu.memref_squeeze %dma_wait3A_64 : memref<1x125x20xf32, #tpu.memory_space<vmem>> -> memref<125x20xf32, #tpu.memory_space<vmem>>
        %dma_wait3A_66 = arith.constant 0 : i32
        %dma_wait3A_67 = tpu.memref_slice %arg7[%run_scoped3A_30, %dma_wait3A_66] : memref<16x125xi32, #tpu.memory_space<vmem>> -> memref<1x125xi32, #tpu.memory_space<vmem>>
        %dma_wait3A_68 = tpu.memref_squeeze %dma_wait3A_67 : memref<1x125xi32, #tpu.memory_space<vmem>> -> memref<125xi32, #tpu.memory_space<vmem>>
        %dma_wait3A_69 = arith.constant 0 : i32
        %dma_wait3A_70 = arith.constant 0 : i32
        %dma_wait3A_71 = tpu.memref_slice %arg8[%dma_wait3A_69, %dma_wait3A_70] : memref<25000x20xf32, #tpu.memory_space<vmem_shared>> -> memref<25000x20xf32, #tpu.memory_space<vmem_shared>>
        tpu.wait_indirect_dma semaphore(%run_scoped3A_53 : memref<!tpu.dma_semaphore, #tpu.memory_space<semaphore_mem>>) src(%dma_wait3A_65 : memref<125x20xf32, #tpu.memory_space<vmem>>) dst(%dma_wait3A_71 : memref<25000x20xf32, #tpu.memory_space<vmem_shared>>)
        tpu.yield
      }) : () -> ()
      %run_scoped3A_31 = arith.constant 5 : i32
      %run_scoped3A_32 = arith.constant 5 : i32
      "tpu.region"() ({
        %run_scoped3A_53 = tpu.sem_alloc : memref<!tpu.dma_semaphore, #tpu.memory_space<semaphore_mem>>
        %dma_start3A = arith.constant 0 : i32
        %dma_start3A_54 = arith.constant 0 : i32
        %dma_start3A_55 = tpu.memref_slice %arg6[%run_scoped3A_31, %dma_start3A, %dma_start3A_54] : memref<16x125x20xf32, #tpu.memory_space<vmem>> -> memref<1x125x20xf32, #tpu.memory_space<vmem>>
        %dma_start3A_56 = tpu.memref_squeeze %dma_start3A_55 : memref<1x125x20xf32, #tpu.memory_space<vmem>> -> memref<125x20xf32, #tpu.memory_space<vmem>>
        %dma_start3A_57 = arith.constant 0 : i32
        %dma_start3A_58 = tpu.memref_slice %arg7[%run_scoped3A_32, %dma_start3A_57] : memref<16x125xi32, #tpu.memory_space<vmem>> -> memref<1x125xi32, #tpu.memory_space<vmem>>
        %dma_start3A_59 = tpu.memref_squeeze %dma_start3A_58 : memref<1x125xi32, #tpu.memory_space<vmem>> -> memref<125xi32, #tpu.memory_space<vmem>>
        %dma_start3A_60 = arith.constant 0 : i32
        %dma_start3A_61 = arith.constant 0 : i32
        %dma_start3A_62 = tpu.memref_slice %arg8[%dma_start3A_60, %dma_start3A_61] : memref<25000x20xf32, #tpu.memory_space<vmem_shared>> -> memref<25000x20xf32, #tpu.memory_space<vmem_shared>>
        tpu.enqueue_indirect_dma source(%dma_start3A_56 : memref<125x20xf32, #tpu.memory_space<vmem>>) target(%dma_start3A_62 : memref<25000x20xf32, #tpu.memory_space<vmem_shared>>) offsets(%dma_start3A_59 : memref<125xi32, #tpu.memory_space<vmem>>) semaphore(%run_scoped3A_53 : memref<!tpu.dma_semaphore, #tpu.memory_space<semaphore_mem>>) {add = true}
        %dma_wait3A = arith.constant 0 : i32
        %dma_wait3A_63 = arith.constant 0 : i32
        %dma_wait3A_64 = tpu.memref_slice %arg6[%run_scoped3A_31, %dma_wait3A, %dma_wait3A_63] : memref<16x125x20xf32, #tpu.memory_space<vmem>> -> memref<1x125x20xf32, #tpu.memory_space<vmem>>
        %dma_wait3A_65 = tpu.memref_squeeze %dma_wait3A_64 : memref<1x125x20xf32, #tpu.memory_space<vmem>> -> memref<125x20xf32, #tpu.memory_space<vmem>>
        %dma_wait3A_66 = arith.constant 0 : i32
        %dma_wait3A_67 = tpu.memref_slice %arg7[%run_scoped3A_32, %dma_wait3A_66] : memref<16x125xi32, #tpu.memory_space<vmem>> -> memref<1x125xi32, #tpu.memory_space<vmem>>
        %dma_wait3A_68 = tpu.memref_squeeze %dma_wait3A_67 : memref<1x125xi32, #tpu.memory_space<vmem>> -> memref<125xi32, #tpu.memory_space<vmem>>
        %dma_wait3A_69 = arith.constant 0 : i32
        %dma_wait3A_70 = arith.constant 0 : i32
        %dma_wait3A_71 = tpu.memref_slice %arg8[%dma_wait3A_69, %dma_wait3A_70] : memref<25000x20xf32, #tpu.memory_space<vmem_shared>> -> memref<25000x20xf32, #tpu.memory_space<vmem_shared>>
        tpu.wait_indirect_dma semaphore(%run_scoped3A_53 : memref<!tpu.dma_semaphore, #tpu.memory_space<semaphore_mem>>) src(%dma_wait3A_65 : memref<125x20xf32, #tpu.memory_space<vmem>>) dst(%dma_wait3A_71 : memref<25000x20xf32, #tpu.memory_space<vmem_shared>>)
        tpu.yield
      }) : () -> ()
      %run_scoped3A_33 = arith.constant 6 : i32
      %run_scoped3A_34 = arith.constant 6 : i32
      "tpu.region"() ({
        %run_scoped3A_53 = tpu.sem_alloc : memref<!tpu.dma_semaphore, #tpu.memory_space<semaphore_mem>>
        %dma_start3A = arith.constant 0 : i32
        %dma_start3A_54 = arith.constant 0 : i32
        %dma_start3A_55 = tpu.memref_slice %arg6[%run_scoped3A_33, %dma_start3A, %dma_start3A_54] : memref<16x125x20xf32, #tpu.memory_space<vmem>> -> memref<1x125x20xf32, #tpu.memory_space<vmem>>
        %dma_start3A_56 = tpu.memref_squeeze %dma_start3A_55 : memref<1x125x20xf32, #tpu.memory_space<vmem>> -> memref<125x20xf32, #tpu.memory_space<vmem>>
        %dma_start3A_57 = arith.constant 0 : i32
        %dma_start3A_58 = tpu.memref_slice %arg7[%run_scoped3A_34, %dma_start3A_57] : memref<16x125xi32, #tpu.memory_space<vmem>> -> memref<1x125xi32, #tpu.memory_space<vmem>>
        %dma_start3A_59 = tpu.memref_squeeze %dma_start3A_58 : memref<1x125xi32, #tpu.memory_space<vmem>> -> memref<125xi32, #tpu.memory_space<vmem>>
        %dma_start3A_60 = arith.constant 0 : i32
        %dma_start3A_61 = arith.constant 0 : i32
        %dma_start3A_62 = tpu.memref_slice %arg8[%dma_start3A_60, %dma_start3A_61] : memref<25000x20xf32, #tpu.memory_space<vmem_shared>> -> memref<25000x20xf32, #tpu.memory_space<vmem_shared>>
        tpu.enqueue_indirect_dma source(%dma_start3A_56 : memref<125x20xf32, #tpu.memory_space<vmem>>) target(%dma_start3A_62 : memref<25000x20xf32, #tpu.memory_space<vmem_shared>>) offsets(%dma_start3A_59 : memref<125xi32, #tpu.memory_space<vmem>>) semaphore(%run_scoped3A_53 : memref<!tpu.dma_semaphore, #tpu.memory_space<semaphore_mem>>) {add = true}
        %dma_wait3A = arith.constant 0 : i32
        %dma_wait3A_63 = arith.constant 0 : i32
        %dma_wait3A_64 = tpu.memref_slice %arg6[%run_scoped3A_33, %dma_wait3A, %dma_wait3A_63] : memref<16x125x20xf32, #tpu.memory_space<vmem>> -> memref<1x125x20xf32, #tpu.memory_space<vmem>>
        %dma_wait3A_65 = tpu.memref_squeeze %dma_wait3A_64 : memref<1x125x20xf32, #tpu.memory_space<vmem>> -> memref<125x20xf32, #tpu.memory_space<vmem>>
        %dma_wait3A_66 = arith.constant 0 : i32
        %dma_wait3A_67 = tpu.memref_slice %arg7[%run_scoped3A_34, %dma_wait3A_66] : memref<16x125xi32, #tpu.memory_space<vmem>> -> memref<1x125xi32, #tpu.memory_space<vmem>>
        %dma_wait3A_68 = tpu.memref_squeeze %dma_wait3A_67 : memref<1x125xi32, #tpu.memory_space<vmem>> -> memref<125xi32, #tpu.memory_space<vmem>>
        %dma_wait3A_69 = arith.constant 0 : i32
        %dma_wait3A_70 = arith.constant 0 : i32
        %dma_wait3A_71 = tpu.memref_slice %arg8[%dma_wait3A_69, %dma_wait3A_70] : memref<25000x20xf32, #tpu.memory_space<vmem_shared>> -> memref<25000x20xf32, #tpu.memory_space<vmem_shared>>
        tpu.wait_indirect_dma semaphore(%run_scoped3A_53 : memref<!tpu.dma_semaphore, #tpu.memory_space<semaphore_mem>>) src(%dma_wait3A_65 : memref<125x20xf32, #tpu.memory_space<vmem>>) dst(%dma_wait3A_71 : memref<25000x20xf32, #tpu.memory_space<vmem_shared>>)
        tpu.yield
      }) : () -> ()
      %run_scoped3A_35 = arith.constant 7 : i32
      %run_scoped3A_36 = arith.constant 7 : i32
      "tpu.region"() ({
        %run_scoped3A_53 = tpu.sem_alloc : memref<!tpu.dma_semaphore, #tpu.memory_space<semaphore_mem>>
        %dma_start3A = arith.constant 0 : i32
        %dma_start3A_54 = arith.constant 0 : i32
        %dma_start3A_55 = tpu.memref_slice %arg6[%run_scoped3A_35, %dma_start3A, %dma_start3A_54] : memref<16x125x20xf32, #tpu.memory_space<vmem>> -> memref<1x125x20xf32, #tpu.memory_space<vmem>>
        %dma_start3A_56 = tpu.memref_squeeze %dma_start3A_55 : memref<1x125x20xf32, #tpu.memory_space<vmem>> -> memref<125x20xf32, #tpu.memory_space<vmem>>
        %dma_start3A_57 = arith.constant 0 : i32
        %dma_start3A_58 = tpu.memref_slice %arg7[%run_scoped3A_36, %dma_start3A_57] : memref<16x125xi32, #tpu.memory_space<vmem>> -> memref<1x125xi32, #tpu.memory_space<vmem>>
        %dma_start3A_59 = tpu.memref_squeeze %dma_start3A_58 : memref<1x125xi32, #tpu.memory_space<vmem>> -> memref<125xi32, #tpu.memory_space<vmem>>
        %dma_start3A_60 = arith.constant 0 : i32
        %dma_start3A_61 = arith.constant 0 : i32
        %dma_start3A_62 = tpu.memref_slice %arg8[%dma_start3A_60, %dma_start3A_61] : memref<25000x20xf32, #tpu.memory_space<vmem_shared>> -> memref<25000x20xf32, #tpu.memory_space<vmem_shared>>
        tpu.enqueue_indirect_dma source(%dma_start3A_56 : memref<125x20xf32, #tpu.memory_space<vmem>>) target(%dma_start3A_62 : memref<25000x20xf32, #tpu.memory_space<vmem_shared>>) offsets(%dma_start3A_59 : memref<125xi32, #tpu.memory_space<vmem>>) semaphore(%run_scoped3A_53 : memref<!tpu.dma_semaphore, #tpu.memory_space<semaphore_mem>>) {add = true}
        %dma_wait3A = arith.constant 0 : i32
        %dma_wait3A_63 = arith.constant 0 : i32
        %dma_wait3A_64 = tpu.memref_slice %arg6[%run_scoped3A_35, %dma_wait3A, %dma_wait3A_63] : memref<16x125x20xf32, #tpu.memory_space<vmem>> -> memref<1x125x20xf32, #tpu.memory_space<vmem>>
        %dma_wait3A_65 = tpu.memref_squeeze %dma_wait3A_64 : memref<1x125x20xf32, #tpu.memory_space<vmem>> -> memref<125x20xf32, #tpu.memory_space<vmem>>
        %dma_wait3A_66 = arith.constant 0 : i32
        %dma_wait3A_67 = tpu.memref_slice %arg7[%run_scoped3A_36, %dma_wait3A_66] : memref<16x125xi32, #tpu.memory_space<vmem>> -> memref<1x125xi32, #tpu.memory_space<vmem>>
        %dma_wait3A_68 = tpu.memref_squeeze %dma_wait3A_67 : memref<1x125xi32, #tpu.memory_space<vmem>> -> memref<125xi32, #tpu.memory_space<vmem>>
        %dma_wait3A_69 = arith.constant 0 : i32
        %dma_wait3A_70 = arith.constant 0 : i32
        %dma_wait3A_71 = tpu.memref_slice %arg8[%dma_wait3A_69, %dma_wait3A_70] : memref<25000x20xf32, #tpu.memory_space<vmem_shared>> -> memref<25000x20xf32, #tpu.memory_space<vmem_shared>>
        tpu.wait_indirect_dma semaphore(%run_scoped3A_53 : memref<!tpu.dma_semaphore, #tpu.memory_space<semaphore_mem>>) src(%dma_wait3A_65 : memref<125x20xf32, #tpu.memory_space<vmem>>) dst(%dma_wait3A_71 : memref<25000x20xf32, #tpu.memory_space<vmem_shared>>)
        tpu.yield
      }) : () -> ()
      %run_scoped3A_37 = arith.constant 8 : i32
      %run_scoped3A_38 = arith.constant 8 : i32
      "tpu.region"() ({
        %run_scoped3A_53 = tpu.sem_alloc : memref<!tpu.dma_semaphore, #tpu.memory_space<semaphore_mem>>
        %dma_start3A = arith.constant 0 : i32
        %dma_start3A_54 = arith.constant 0 : i32
        %dma_start3A_55 = tpu.memref_slice %arg6[%run_scoped3A_37, %dma_start3A, %dma_start3A_54] : memref<16x125x20xf32, #tpu.memory_space<vmem>> -> memref<1x125x20xf32, #tpu.memory_space<vmem>>
        %dma_start3A_56 = tpu.memref_squeeze %dma_start3A_55 : memref<1x125x20xf32, #tpu.memory_space<vmem>> -> memref<125x20xf32, #tpu.memory_space<vmem>>
        %dma_start3A_57 = arith.constant 0 : i32
        %dma_start3A_58 = tpu.memref_slice %arg7[%run_scoped3A_38, %dma_start3A_57] : memref<16x125xi32, #tpu.memory_space<vmem>> -> memref<1x125xi32, #tpu.memory_space<vmem>>
        %dma_start3A_59 = tpu.memref_squeeze %dma_start3A_58 : memref<1x125xi32, #tpu.memory_space<vmem>> -> memref<125xi32, #tpu.memory_space<vmem>>
        %dma_start3A_60 = arith.constant 0 : i32
        %dma_start3A_61 = arith.constant 0 : i32
        %dma_start3A_62 = tpu.memref_slice %arg8[%dma_start3A_60, %dma_start3A_61] : memref<25000x20xf32, #tpu.memory_space<vmem_shared>> -> memref<25000x20xf32, #tpu.memory_space<vmem_shared>>
        tpu.enqueue_indirect_dma source(%dma_start3A_56 : memref<125x20xf32, #tpu.memory_space<vmem>>) target(%dma_start3A_62 : memref<25000x20xf32, #tpu.memory_space<vmem_shared>>) offsets(%dma_start3A_59 : memref<125xi32, #tpu.memory_space<vmem>>) semaphore(%run_scoped3A_53 : memref<!tpu.dma_semaphore, #tpu.memory_space<semaphore_mem>>) {add = true}
        %dma_wait3A = arith.constant 0 : i32
        %dma_wait3A_63 = arith.constant 0 : i32
        %dma_wait3A_64 = tpu.memref_slice %arg6[%run_scoped3A_37, %dma_wait3A, %dma_wait3A_63] : memref<16x125x20xf32, #tpu.memory_space<vmem>> -> memref<1x125x20xf32, #tpu.memory_space<vmem>>
        %dma_wait3A_65 = tpu.memref_squeeze %dma_wait3A_64 : memref<1x125x20xf32, #tpu.memory_space<vmem>> -> memref<125x20xf32, #tpu.memory_space<vmem>>
        %dma_wait3A_66 = arith.constant 0 : i32
        %dma_wait3A_67 = tpu.memref_slice %arg7[%run_scoped3A_38, %dma_wait3A_66] : memref<16x125xi32, #tpu.memory_space<vmem>> -> memref<1x125xi32, #tpu.memory_space<vmem>>
        %dma_wait3A_68 = tpu.memref_squeeze %dma_wait3A_67 : memref<1x125xi32, #tpu.memory_space<vmem>> -> memref<125xi32, #tpu.memory_space<vmem>>
        %dma_wait3A_69 = arith.constant 0 : i32
        %dma_wait3A_70 = arith.constant 0 : i32
        %dma_wait3A_71 = tpu.memref_slice %arg8[%dma_wait3A_69, %dma_wait3A_70] : memref<25000x20xf32, #tpu.memory_space<vmem_shared>> -> memref<25000x20xf32, #tpu.memory_space<vmem_shared>>
        tpu.wait_indirect_dma semaphore(%run_scoped3A_53 : memref<!tpu.dma_semaphore, #tpu.memory_space<semaphore_mem>>) src(%dma_wait3A_65 : memref<125x20xf32, #tpu.memory_space<vmem>>) dst(%dma_wait3A_71 : memref<25000x20xf32, #tpu.memory_space<vmem_shared>>)
        tpu.yield
      }) : () -> ()
      %run_scoped3A_39 = arith.constant 9 : i32
      %run_scoped3A_40 = arith.constant 9 : i32
      "tpu.region"() ({
        %run_scoped3A_53 = tpu.sem_alloc : memref<!tpu.dma_semaphore, #tpu.memory_space<semaphore_mem>>
        %dma_start3A = arith.constant 0 : i32
        %dma_start3A_54 = arith.constant 0 : i32
        %dma_start3A_55 = tpu.memref_slice %arg6[%run_scoped3A_39, %dma_start3A, %dma_start3A_54] : memref<16x125x20xf32, #tpu.memory_space<vmem>> -> memref<1x125x20xf32, #tpu.memory_space<vmem>>
        %dma_start3A_56 = tpu.memref_squeeze %dma_start3A_55 : memref<1x125x20xf32, #tpu.memory_space<vmem>> -> memref<125x20xf32, #tpu.memory_space<vmem>>
        %dma_start3A_57 = arith.constant 0 : i32
        %dma_start3A_58 = tpu.memref_slice %arg7[%run_scoped3A_40, %dma_start3A_57] : memref<16x125xi32, #tpu.memory_space<vmem>> -> memref<1x125xi32, #tpu.memory_space<vmem>>
        %dma_start3A_59 = tpu.memref_squeeze %dma_start3A_58 : memref<1x125xi32, #tpu.memory_space<vmem>> -> memref<125xi32, #tpu.memory_space<vmem>>
        %dma_start3A_60 = arith.constant 0 : i32
        %dma_start3A_61 = arith.constant 0 : i32
        %dma_start3A_62 = tpu.memref_slice %arg8[%dma_start3A_60, %dma_start3A_61] : memref<25000x20xf32, #tpu.memory_space<vmem_shared>> -> memref<25000x20xf32, #tpu.memory_space<vmem_shared>>
        tpu.enqueue_indirect_dma source(%dma_start3A_56 : memref<125x20xf32, #tpu.memory_space<vmem>>) target(%dma_start3A_62 : memref<25000x20xf32, #tpu.memory_space<vmem_shared>>) offsets(%dma_start3A_59 : memref<125xi32, #tpu.memory_space<vmem>>) semaphore(%run_scoped3A_53 : memref<!tpu.dma_semaphore, #tpu.memory_space<semaphore_mem>>) {add = true}
        %dma_wait3A = arith.constant 0 : i32
        %dma_wait3A_63 = arith.constant 0 : i32
        %dma_wait3A_64 = tpu.memref_slice %arg6[%run_scoped3A_39, %dma_wait3A, %dma_wait3A_63] : memref<16x125x20xf32, #tpu.memory_space<vmem>> -> memref<1x125x20xf32, #tpu.memory_space<vmem>>
        %dma_wait3A_65 = tpu.memref_squeeze %dma_wait3A_64 : memref<1x125x20xf32, #tpu.memory_space<vmem>> -> memref<125x20xf32, #tpu.memory_space<vmem>>
        %dma_wait3A_66 = arith.constant 0 : i32
        %dma_wait3A_67 = tpu.memref_slice %arg7[%run_scoped3A_40, %dma_wait3A_66] : memref<16x125xi32, #tpu.memory_space<vmem>> -> memref<1x125xi32, #tpu.memory_space<vmem>>
        %dma_wait3A_68 = tpu.memref_squeeze %dma_wait3A_67 : memref<1x125xi32, #tpu.memory_space<vmem>> -> memref<125xi32, #tpu.memory_space<vmem>>
        %dma_wait3A_69 = arith.constant 0 : i32
        %dma_wait3A_70 = arith.constant 0 : i32
        %dma_wait3A_71 = tpu.memref_slice %arg8[%dma_wait3A_69, %dma_wait3A_70] : memref<25000x20xf32, #tpu.memory_space<vmem_shared>> -> memref<25000x20xf32, #tpu.memory_space<vmem_shared>>
        tpu.wait_indirect_dma semaphore(%run_scoped3A_53 : memref<!tpu.dma_semaphore, #tpu.memory_space<semaphore_mem>>) src(%dma_wait3A_65 : memref<125x20xf32, #tpu.memory_space<vmem>>) dst(%dma_wait3A_71 : memref<25000x20xf32, #tpu.memory_space<vmem_shared>>)
        tpu.yield
      }) : () -> ()
      %run_scoped3A_41 = arith.constant 10 : i32
      %run_scoped3A_42 = arith.constant 10 : i32
      "tpu.region"() ({
        %run_scoped3A_53 = tpu.sem_alloc : memref<!tpu.dma_semaphore, #tpu.memory_space<semaphore_mem>>
        %dma_start3A = arith.constant 0 : i32
        %dma_start3A_54 = arith.constant 0 : i32
        %dma_start3A_55 = tpu.memref_slice %arg6[%run_scoped3A_41, %dma_start3A, %dma_start3A_54] : memref<16x125x20xf32, #tpu.memory_space<vmem>> -> memref<1x125x20xf32, #tpu.memory_space<vmem>>
        %dma_start3A_56 = tpu.memref_squeeze %dma_start3A_55 : memref<1x125x20xf32, #tpu.memory_space<vmem>> -> memref<125x20xf32, #tpu.memory_space<vmem>>
        %dma_start3A_57 = arith.constant 0 : i32
        %dma_start3A_58 = tpu.memref_slice %arg7[%run_scoped3A_42, %dma_start3A_57] : memref<16x125xi32, #tpu.memory_space<vmem>> -> memref<1x125xi32, #tpu.memory_space<vmem>>
        %dma_start3A_59 = tpu.memref_squeeze %dma_start3A_58 : memref<1x125xi32, #tpu.memory_space<vmem>> -> memref<125xi32, #tpu.memory_space<vmem>>
        %dma_start3A_60 = arith.constant 0 : i32
        %dma_start3A_61 = arith.constant 0 : i32
        %dma_start3A_62 = tpu.memref_slice %arg8[%dma_start3A_60, %dma_start3A_61] : memref<25000x20xf32, #tpu.memory_space<vmem_shared>> -> memref<25000x20xf32, #tpu.memory_space<vmem_shared>>
        tpu.enqueue_indirect_dma source(%dma_start3A_56 : memref<125x20xf32, #tpu.memory_space<vmem>>) target(%dma_start3A_62 : memref<25000x20xf32, #tpu.memory_space<vmem_shared>>) offsets(%dma_start3A_59 : memref<125xi32, #tpu.memory_space<vmem>>) semaphore(%run_scoped3A_53 : memref<!tpu.dma_semaphore, #tpu.memory_space<semaphore_mem>>) {add = true}
        %dma_wait3A = arith.constant 0 : i32
        %dma_wait3A_63 = arith.constant 0 : i32
        %dma_wait3A_64 = tpu.memref_slice %arg6[%run_scoped3A_41, %dma_wait3A, %dma_wait3A_63] : memref<16x125x20xf32, #tpu.memory_space<vmem>> -> memref<1x125x20xf32, #tpu.memory_space<vmem>>
        %dma_wait3A_65 = tpu.memref_squeeze %dma_wait3A_64 : memref<1x125x20xf32, #tpu.memory_space<vmem>> -> memref<125x20xf32, #tpu.memory_space<vmem>>
        %dma_wait3A_66 = arith.constant 0 : i32
        %dma_wait3A_67 = tpu.memref_slice %arg7[%run_scoped3A_42, %dma_wait3A_66] : memref<16x125xi32, #tpu.memory_space<vmem>> -> memref<1x125xi32, #tpu.memory_space<vmem>>
        %dma_wait3A_68 = tpu.memref_squeeze %dma_wait3A_67 : memref<1x125xi32, #tpu.memory_space<vmem>> -> memref<125xi32, #tpu.memory_space<vmem>>
        %dma_wait3A_69 = arith.constant 0 : i32
        %dma_wait3A_70 = arith.constant 0 : i32
        %dma_wait3A_71 = tpu.memref_slice %arg8[%dma_wait3A_69, %dma_wait3A_70] : memref<25000x20xf32, #tpu.memory_space<vmem_shared>> -> memref<25000x20xf32, #tpu.memory_space<vmem_shared>>
        tpu.wait_indirect_dma semaphore(%run_scoped3A_53 : memref<!tpu.dma_semaphore, #tpu.memory_space<semaphore_mem>>) src(%dma_wait3A_65 : memref<125x20xf32, #tpu.memory_space<vmem>>) dst(%dma_wait3A_71 : memref<25000x20xf32, #tpu.memory_space<vmem_shared>>)
        tpu.yield
      }) : () -> ()
      %run_scoped3A_43 = arith.constant 11 : i32
      %run_scoped3A_44 = arith.constant 11 : i32
      "tpu.region"() ({
        %run_scoped3A_53 = tpu.sem_alloc : memref<!tpu.dma_semaphore, #tpu.memory_space<semaphore_mem>>
        %dma_start3A = arith.constant 0 : i32
        %dma_start3A_54 = arith.constant 0 : i32
        %dma_start3A_55 = tpu.memref_slice %arg6[%run_scoped3A_43, %dma_start3A, %dma_start3A_54] : memref<16x125x20xf32, #tpu.memory_space<vmem>> -> memref<1x125x20xf32, #tpu.memory_space<vmem>>
        %dma_start3A_56 = tpu.memref_squeeze %dma_start3A_55 : memref<1x125x20xf32, #tpu.memory_space<vmem>> -> memref<125x20xf32, #tpu.memory_space<vmem>>
        %dma_start3A_57 = arith.constant 0 : i32
        %dma_start3A_58 = tpu.memref_slice %arg7[%run_scoped3A_44, %dma_start3A_57] : memref<16x125xi32, #tpu.memory_space<vmem>> -> memref<1x125xi32, #tpu.memory_space<vmem>>
        %dma_start3A_59 = tpu.memref_squeeze %dma_start3A_58 : memref<1x125xi32, #tpu.memory_space<vmem>> -> memref<125xi32, #tpu.memory_space<vmem>>
        %dma_start3A_60 = arith.constant 0 : i32
        %dma_start3A_61 = arith.constant 0 : i32
        %dma_start3A_62 = tpu.memref_slice %arg8[%dma_start3A_60, %dma_start3A_61] : memref<25000x20xf32, #tpu.memory_space<vmem_shared>> -> memref<25000x20xf32, #tpu.memory_space<vmem_shared>>
        tpu.enqueue_indirect_dma source(%dma_start3A_56 : memref<125x20xf32, #tpu.memory_space<vmem>>) target(%dma_start3A_62 : memref<25000x20xf32, #tpu.memory_space<vmem_shared>>) offsets(%dma_start3A_59 : memref<125xi32, #tpu.memory_space<vmem>>) semaphore(%run_scoped3A_53 : memref<!tpu.dma_semaphore, #tpu.memory_space<semaphore_mem>>) {add = true}
        %dma_wait3A = arith.constant 0 : i32
        %dma_wait3A_63 = arith.constant 0 : i32
        %dma_wait3A_64 = tpu.memref_slice %arg6[%run_scoped3A_43, %dma_wait3A, %dma_wait3A_63] : memref<16x125x20xf32, #tpu.memory_space<vmem>> -> memref<1x125x20xf32, #tpu.memory_space<vmem>>
        %dma_wait3A_65 = tpu.memref_squeeze %dma_wait3A_64 : memref<1x125x20xf32, #tpu.memory_space<vmem>> -> memref<125x20xf32, #tpu.memory_space<vmem>>
        %dma_wait3A_66 = arith.constant 0 : i32
        %dma_wait3A_67 = tpu.memref_slice %arg7[%run_scoped3A_44, %dma_wait3A_66] : memref<16x125xi32, #tpu.memory_space<vmem>> -> memref<1x125xi32, #tpu.memory_space<vmem>>
        %dma_wait3A_68 = tpu.memref_squeeze %dma_wait3A_67 : memref<1x125xi32, #tpu.memory_space<vmem>> -> memref<125xi32, #tpu.memory_space<vmem>>
        %dma_wait3A_69 = arith.constant 0 : i32
        %dma_wait3A_70 = arith.constant 0 : i32
        %dma_wait3A_71 = tpu.memref_slice %arg8[%dma_wait3A_69, %dma_wait3A_70] : memref<25000x20xf32, #tpu.memory_space<vmem_shared>> -> memref<25000x20xf32, #tpu.memory_space<vmem_shared>>
        tpu.wait_indirect_dma semaphore(%run_scoped3A_53 : memref<!tpu.dma_semaphore, #tpu.memory_space<semaphore_mem>>) src(%dma_wait3A_65 : memref<125x20xf32, #tpu.memory_space<vmem>>) dst(%dma_wait3A_71 : memref<25000x20xf32, #tpu.memory_space<vmem_shared>>)
        tpu.yield
      }) : () -> ()
      %run_scoped3A_45 = arith.constant 12 : i32
      %run_scoped3A_46 = arith.constant 12 : i32
      "tpu.region"() ({
        %run_scoped3A_53 = tpu.sem_alloc : memref<!tpu.dma_semaphore, #tpu.memory_space<semaphore_mem>>
        %dma_start3A = arith.constant 0 : i32
        %dma_start3A_54 = arith.constant 0 : i32
        %dma_start3A_55 = tpu.memref_slice %arg6[%run_scoped3A_45, %dma_start3A, %dma_start3A_54] : memref<16x125x20xf32, #tpu.memory_space<vmem>> -> memref<1x125x20xf32, #tpu.memory_space<vmem>>
        %dma_start3A_56 = tpu.memref_squeeze %dma_start3A_55 : memref<1x125x20xf32, #tpu.memory_space<vmem>> -> memref<125x20xf32, #tpu.memory_space<vmem>>
        %dma_start3A_57 = arith.constant 0 : i32
        %dma_start3A_58 = tpu.memref_slice %arg7[%run_scoped3A_46, %dma_start3A_57] : memref<16x125xi32, #tpu.memory_space<vmem>> -> memref<1x125xi32, #tpu.memory_space<vmem>>
        %dma_start3A_59 = tpu.memref_squeeze %dma_start3A_58 : memref<1x125xi32, #tpu.memory_space<vmem>> -> memref<125xi32, #tpu.memory_space<vmem>>
        %dma_start3A_60 = arith.constant 0 : i32
        %dma_start3A_61 = arith.constant 0 : i32
        %dma_start3A_62 = tpu.memref_slice %arg8[%dma_start3A_60, %dma_start3A_61] : memref<25000x20xf32, #tpu.memory_space<vmem_shared>> -> memref<25000x20xf32, #tpu.memory_space<vmem_shared>>
        tpu.enqueue_indirect_dma source(%dma_start3A_56 : memref<125x20xf32, #tpu.memory_space<vmem>>) target(%dma_start3A_62 : memref<25000x20xf32, #tpu.memory_space<vmem_shared>>) offsets(%dma_start3A_59 : memref<125xi32, #tpu.memory_space<vmem>>) semaphore(%run_scoped3A_53 : memref<!tpu.dma_semaphore, #tpu.memory_space<semaphore_mem>>) {add = true}
        %dma_wait3A = arith.constant 0 : i32
        %dma_wait3A_63 = arith.constant 0 : i32
        %dma_wait3A_64 = tpu.memref_slice %arg6[%run_scoped3A_45, %dma_wait3A, %dma_wait3A_63] : memref<16x125x20xf32, #tpu.memory_space<vmem>> -> memref<1x125x20xf32, #tpu.memory_space<vmem>>
        %dma_wait3A_65 = tpu.memref_squeeze %dma_wait3A_64 : memref<1x125x20xf32, #tpu.memory_space<vmem>> -> memref<125x20xf32, #tpu.memory_space<vmem>>
        %dma_wait3A_66 = arith.constant 0 : i32
        %dma_wait3A_67 = tpu.memref_slice %arg7[%run_scoped3A_46, %dma_wait3A_66] : memref<16x125xi32, #tpu.memory_space<vmem>> -> memref<1x125xi32, #tpu.memory_space<vmem>>
        %dma_wait3A_68 = tpu.memref_squeeze %dma_wait3A_67 : memref<1x125xi32, #tpu.memory_space<vmem>> -> memref<125xi32, #tpu.memory_space<vmem>>
        %dma_wait3A_69 = arith.constant 0 : i32
        %dma_wait3A_70 = arith.constant 0 : i32
        %dma_wait3A_71 = tpu.memref_slice %arg8[%dma_wait3A_69, %dma_wait3A_70] : memref<25000x20xf32, #tpu.memory_space<vmem_shared>> -> memref<25000x20xf32, #tpu.memory_space<vmem_shared>>
        tpu.wait_indirect_dma semaphore(%run_scoped3A_53 : memref<!tpu.dma_semaphore, #tpu.memory_space<semaphore_mem>>) src(%dma_wait3A_65 : memref<125x20xf32, #tpu.memory_space<vmem>>) dst(%dma_wait3A_71 : memref<25000x20xf32, #tpu.memory_space<vmem_shared>>)
        tpu.yield
      }) : () -> ()
      %run_scoped3A_47 = arith.constant 13 : i32
      %run_scoped3A_48 = arith.constant 13 : i32
      "tpu.region"() ({
        %run_scoped3A_53 = tpu.sem_alloc : memref<!tpu.dma_semaphore, #tpu.memory_space<semaphore_mem>>
        %dma_start3A = arith.constant 0 : i32
        %dma_start3A_54 = arith.constant 0 : i32
        %dma_start3A_55 = tpu.memref_slice %arg6[%run_scoped3A_47, %dma_start3A, %dma_start3A_54] : memref<16x125x20xf32, #tpu.memory_space<vmem>> -> memref<1x125x20xf32, #tpu.memory_space<vmem>>
        %dma_start3A_56 = tpu.memref_squeeze %dma_start3A_55 : memref<1x125x20xf32, #tpu.memory_space<vmem>> -> memref<125x20xf32, #tpu.memory_space<vmem>>
        %dma_start3A_57 = arith.constant 0 : i32
        %dma_start3A_58 = tpu.memref_slice %arg7[%run_scoped3A_48, %dma_start3A_57] : memref<16x125xi32, #tpu.memory_space<vmem>> -> memref<1x125xi32, #tpu.memory_space<vmem>>
        %dma_start3A_59 = tpu.memref_squeeze %dma_start3A_58 : memref<1x125xi32, #tpu.memory_space<vmem>> -> memref<125xi32, #tpu.memory_space<vmem>>
        %dma_start3A_60 = arith.constant 0 : i32
        %dma_start3A_61 = arith.constant 0 : i32
        %dma_start3A_62 = tpu.memref_slice %arg8[%dma_start3A_60, %dma_start3A_61] : memref<25000x20xf32, #tpu.memory_space<vmem_shared>> -> memref<25000x20xf32, #tpu.memory_space<vmem_shared>>
        tpu.enqueue_indirect_dma source(%dma_start3A_56 : memref<125x20xf32, #tpu.memory_space<vmem>>) target(%dma_start3A_62 : memref<25000x20xf32, #tpu.memory_space<vmem_shared>>) offsets(%dma_start3A_59 : memref<125xi32, #tpu.memory_space<vmem>>) semaphore(%run_scoped3A_53 : memref<!tpu.dma_semaphore, #tpu.memory_space<semaphore_mem>>) {add = true}
        %dma_wait3A = arith.constant 0 : i32
        %dma_wait3A_63 = arith.constant 0 : i32
        %dma_wait3A_64 = tpu.memref_slice %arg6[%run_scoped3A_47, %dma_wait3A, %dma_wait3A_63] : memref<16x125x20xf32, #tpu.memory_space<vmem>> -> memref<1x125x20xf32, #tpu.memory_space<vmem>>
        %dma_wait3A_65 = tpu.memref_squeeze %dma_wait3A_64 : memref<1x125x20xf32, #tpu.memory_space<vmem>> -> memref<125x20xf32, #tpu.memory_space<vmem>>
        %dma_wait3A_66 = arith.constant 0 : i32
        %dma_wait3A_67 = tpu.memref_slice %arg7[%run_scoped3A_48, %dma_wait3A_66] : memref<16x125xi32, #tpu.memory_space<vmem>> -> memref<1x125xi32, #tpu.memory_space<vmem>>
        %dma_wait3A_68 = tpu.memref_squeeze %dma_wait3A_67 : memref<1x125xi32, #tpu.memory_space<vmem>> -> memref<125xi32, #tpu.memory_space<vmem>>
        %dma_wait3A_69 = arith.constant 0 : i32
        %dma_wait3A_70 = arith.constant 0 : i32
        %dma_wait3A_71 = tpu.memref_slice %arg8[%dma_wait3A_69, %dma_wait3A_70] : memref<25000x20xf32, #tpu.memory_space<vmem_shared>> -> memref<25000x20xf32, #tpu.memory_space<vmem_shared>>
        tpu.wait_indirect_dma semaphore(%run_scoped3A_53 : memref<!tpu.dma_semaphore, #tpu.memory_space<semaphore_mem>>) src(%dma_wait3A_65 : memref<125x20xf32, #tpu.memory_space<vmem>>) dst(%dma_wait3A_71 : memref<25000x20xf32, #tpu.memory_space<vmem_shared>>)
        tpu.yield
      }) : () -> ()
      %run_scoped3A_49 = arith.constant 14 : i32
      %run_scoped3A_50 = arith.constant 14 : i32
      "tpu.region"() ({
        %run_scoped3A_53 = tpu.sem_alloc : memref<!tpu.dma_semaphore, #tpu.memory_space<semaphore_mem>>
        %dma_start3A = arith.constant 0 : i32
        %dma_start3A_54 = arith.constant 0 : i32
        %dma_start3A_55 = tpu.memref_slice %arg6[%run_scoped3A_49, %dma_start3A, %dma_start3A_54] : memref<16x125x20xf32, #tpu.memory_space<vmem>> -> memref<1x125x20xf32, #tpu.memory_space<vmem>>
        %dma_start3A_56 = tpu.memref_squeeze %dma_start3A_55 : memref<1x125x20xf32, #tpu.memory_space<vmem>> -> memref<125x20xf32, #tpu.memory_space<vmem>>
        %dma_start3A_57 = arith.constant 0 : i32
        %dma_start3A_58 = tpu.memref_slice %arg7[%run_scoped3A_50, %dma_start3A_57] : memref<16x125xi32, #tpu.memory_space<vmem>> -> memref<1x125xi32, #tpu.memory_space<vmem>>
        %dma_start3A_59 = tpu.memref_squeeze %dma_start3A_58 : memref<1x125xi32, #tpu.memory_space<vmem>> -> memref<125xi32, #tpu.memory_space<vmem>>
        %dma_start3A_60 = arith.constant 0 : i32
        %dma_start3A_61 = arith.constant 0 : i32
        %dma_start3A_62 = tpu.memref_slice %arg8[%dma_start3A_60, %dma_start3A_61] : memref<25000x20xf32, #tpu.memory_space<vmem_shared>> -> memref<25000x20xf32, #tpu.memory_space<vmem_shared>>
        tpu.enqueue_indirect_dma source(%dma_start3A_56 : memref<125x20xf32, #tpu.memory_space<vmem>>) target(%dma_start3A_62 : memref<25000x20xf32, #tpu.memory_space<vmem_shared>>) offsets(%dma_start3A_59 : memref<125xi32, #tpu.memory_space<vmem>>) semaphore(%run_scoped3A_53 : memref<!tpu.dma_semaphore, #tpu.memory_space<semaphore_mem>>) {add = true}
        %dma_wait3A = arith.constant 0 : i32
        %dma_wait3A_63 = arith.constant 0 : i32
        %dma_wait3A_64 = tpu.memref_slice %arg6[%run_scoped3A_49, %dma_wait3A, %dma_wait3A_63] : memref<16x125x20xf32, #tpu.memory_space<vmem>> -> memref<1x125x20xf32, #tpu.memory_space<vmem>>
        %dma_wait3A_65 = tpu.memref_squeeze %dma_wait3A_64 : memref<1x125x20xf32, #tpu.memory_space<vmem>> -> memref<125x20xf32, #tpu.memory_space<vmem>>
        %dma_wait3A_66 = arith.constant 0 : i32
        %dma_wait3A_67 = tpu.memref_slice %arg7[%run_scoped3A_50, %dma_wait3A_66] : memref<16x125xi32, #tpu.memory_space<vmem>> -> memref<1x125xi32, #tpu.memory_space<vmem>>
        %dma_wait3A_68 = tpu.memref_squeeze %dma_wait3A_67 : memref<1x125xi32, #tpu.memory_space<vmem>> -> memref<125xi32, #tpu.memory_space<vmem>>
        %dma_wait3A_69 = arith.constant 0 : i32
        %dma_wait3A_70 = arith.constant 0 : i32
        %dma_wait3A_71 = tpu.memref_slice %arg8[%dma_wait3A_69, %dma_wait3A_70] : memref<25000x20xf32, #tpu.memory_space<vmem_shared>> -> memref<25000x20xf32, #tpu.memory_space<vmem_shared>>
        tpu.wait_indirect_dma semaphore(%run_scoped3A_53 : memref<!tpu.dma_semaphore, #tpu.memory_space<semaphore_mem>>) src(%dma_wait3A_65 : memref<125x20xf32, #tpu.memory_space<vmem>>) dst(%dma_wait3A_71 : memref<25000x20xf32, #tpu.memory_space<vmem_shared>>)
        tpu.yield
      }) : () -> ()
      %run_scoped3A_51 = arith.constant 15 : i32
      %run_scoped3A_52 = arith.constant 15 : i32
      "tpu.region"() ({
        %run_scoped3A_53 = tpu.sem_alloc : memref<!tpu.dma_semaphore, #tpu.memory_space<semaphore_mem>>
        %dma_start3A = arith.constant 0 : i32
        %dma_start3A_54 = arith.constant 0 : i32
        %dma_start3A_55 = tpu.memref_slice %arg6[%run_scoped3A_51, %dma_start3A, %dma_start3A_54] : memref<16x125x20xf32, #tpu.memory_space<vmem>> -> memref<1x125x20xf32, #tpu.memory_space<vmem>>
        %dma_start3A_56 = tpu.memref_squeeze %dma_start3A_55 : memref<1x125x20xf32, #tpu.memory_space<vmem>> -> memref<125x20xf32, #tpu.memory_space<vmem>>
        %dma_start3A_57 = arith.constant 0 : i32
        %dma_start3A_58 = tpu.memref_slice %arg7[%run_scoped3A_52, %dma_start3A_57] : memref<16x125xi32, #tpu.memory_space<vmem>> -> memref<1x125xi32, #tpu.memory_space<vmem>>
        %dma_start3A_59 = tpu.memref_squeeze %dma_start3A_58 : memref<1x125xi32, #tpu.memory_space<vmem>> -> memref<125xi32, #tpu.memory_space<vmem>>
        %dma_start3A_60 = arith.constant 0 : i32
        %dma_start3A_61 = arith.constant 0 : i32
        %dma_start3A_62 = tpu.memref_slice %arg8[%dma_start3A_60, %dma_start3A_61] : memref<25000x20xf32, #tpu.memory_space<vmem_shared>> -> memref<25000x20xf32, #tpu.memory_space<vmem_shared>>
        tpu.enqueue_indirect_dma source(%dma_start3A_56 : memref<125x20xf32, #tpu.memory_space<vmem>>) target(%dma_start3A_62 : memref<25000x20xf32, #tpu.memory_space<vmem_shared>>) offsets(%dma_start3A_59 : memref<125xi32, #tpu.memory_space<vmem>>) semaphore(%run_scoped3A_53 : memref<!tpu.dma_semaphore, #tpu.memory_space<semaphore_mem>>) {add = true}
        %dma_wait3A = arith.constant 0 : i32
        %dma_wait3A_63 = arith.constant 0 : i32
        %dma_wait3A_64 = tpu.memref_slice %arg6[%run_scoped3A_51, %dma_wait3A, %dma_wait3A_63] : memref<16x125x20xf32, #tpu.memory_space<vmem>> -> memref<1x125x20xf32, #tpu.memory_space<vmem>>
        %dma_wait3A_65 = tpu.memref_squeeze %dma_wait3A_64 : memref<1x125x20xf32, #tpu.memory_space<vmem>> -> memref<125x20xf32, #tpu.memory_space<vmem>>
        %dma_wait3A_66 = arith.constant 0 : i32
        %dma_wait3A_67 = tpu.memref_slice %arg7[%run_scoped3A_52, %dma_wait3A_66] : memref<16x125xi32, #tpu.memory_space<vmem>> -> memref<1x125xi32, #tpu.memory_space<vmem>>
        %dma_wait3A_68 = tpu.memref_squeeze %dma_wait3A_67 : memref<1x125xi32, #tpu.memory_space<vmem>> -> memref<125xi32, #tpu.memory_space<vmem>>
        %dma_wait3A_69 = arith.constant 0 : i32
        %dma_wait3A_70 = arith.constant 0 : i32
        %dma_wait3A_71 = tpu.memref_slice %arg8[%dma_wait3A_69, %dma_wait3A_70] : memref<25000x20xf32, #tpu.memory_space<vmem_shared>> -> memref<25000x20xf32, #tpu.memory_space<vmem_shared>>
        tpu.wait_indirect_dma semaphore(%run_scoped3A_53 : memref<!tpu.dma_semaphore, #tpu.memory_space<semaphore_mem>>) src(%dma_wait3A_65 : memref<125x20xf32, #tpu.memory_space<vmem>>) dst(%dma_wait3A_71 : memref<25000x20xf32, #tpu.memory_space<vmem_shared>>)
        tpu.yield
      }) : () -> ()
    }
    %scan3A_7 = arith.constant 25 : i32
    %barrier3A_8 = arith.constant 0 : index
    tpu.barrier barrier_id(%barrier3A_8)
    %eq3A_9 = arith.constant 0 : i32
    %eq3A_10 = arith.cmpi eq, %arg1, %eq3A_9 : i32
    %convert_element_type3A_11 = arith.extui %eq3A_10 : i1 to i32
    %cond3A_12 = arith.constant 0 : i32
    %cond3A_13 = arith.cmpi ne, %convert_element_type3A_11, %cond3A_12 : i32
    scf.if %cond3A_13 {
      "tpu.region"() ({
        %run_scoped3A = tpu.sem_alloc : memref<!tpu.dma_semaphore, #tpu.memory_space<semaphore_mem>>
        %dma_start3A = arith.constant 0 : i32
        %dma_start3A_14 = arith.constant 0 : i32
        %dma_start3A_15 = tpu.memref_slice %arg5[%arg0, %dma_start3A, %dma_start3A_14] : memref<2x25000x20xf32, #tpu.memory_space<hbm>> -> memref<1x25000x20xf32, #tpu.memory_space<hbm>>
        %dma_start3A_16 = tpu.memref_squeeze %dma_start3A_15 : memref<1x25000x20xf32, #tpu.memory_space<hbm>> -> memref<25000x20xf32, #tpu.memory_space<hbm>>
        tpu.enqueue_dma source(%arg8 : memref<25000x20xf32, #tpu.memory_space<vmem_shared>>) target(%dma_start3A_16 : memref<25000x20xf32, #tpu.memory_space<hbm>>) target_semaphore(%run_scoped3A : memref<!tpu.dma_semaphore, #tpu.memory_space<semaphore_mem>>)
        %dma_wait3A = arith.constant 0 : i32
        %dma_wait3A_17 = arith.constant 0 : i32
        %dma_wait3A_18 = tpu.memref_slice %arg5[%arg0, %dma_wait3A, %dma_wait3A_17] : memref<2x25000x20xf32, #tpu.memory_space<hbm>> -> memref<1x25000x20xf32, #tpu.memory_space<hbm>>
        %dma_wait3A_19 = tpu.memref_squeeze %dma_wait3A_18 : memref<1x25000x20xf32, #tpu.memory_space<hbm>> -> memref<25000x20xf32, #tpu.memory_space<hbm>>
        tpu.wait_dma2 semaphore(%run_scoped3A : memref<!tpu.dma_semaphore, #tpu.memory_space<semaphore_mem>>) src(%arg8 : memref<25000x20xf32, #tpu.memory_space<vmem_shared>>) dst(%dma_wait3A_19 : memref<25000x20xf32, #tpu.memory_space<hbm>>)
        tpu.yield
      }) : () -> ()
    } else {
    }
    return
  }
}

</mosaic_0001>

<sc_bundles>
// kernel: _run.3.cloned.1.call-start
scs
__scs_entry_jumppad:
0x0: {  	(pc) =	sbr.rel $0x88, $3  }
0x1: {  	(tag) =	ssettag $0x0;
	lr =	simm.s32 $0x1  }
0x2: {  	[smem:$0x3F9D] =	sst lr;
	_ =	strace $0xD0000000  }
0x3: {  	_ = 	snop  }
0x4: {  	_ = 	snop  }
0x5: {  	_ = 	snop  }
0x6: {  	_ = 	snop  }
0x7: {  	_ = 	snop  }
__scs_overlays_trampoline_lowered:
0x8: {  	[smem:$0x3FAC] =	sst s0  }
0x9: {  	[smem:$0x3FAD] =	sst s1  }
0xa: {  	[smem:$0x3FAE] =	sst s2  }
0xb: {  	[smem:$0x3FAF] =	sst s3  }
0xc: {  	[smem:$0x3FB0] =	sst s4  }
0xd: {  	[smem:$0x3FB1] =	sst s5  }
0xe: {  	[smem:$0x3FB2] =	sst s6  }
0xf: {  	[smem:$0x3FB3] =	sst s7  }
0x10: {  	[smem:$0x3FB4] =	sst s8  }
0x11: {  	[smem:$0x3FB5] =	sst s9;
	s0 =	simm.s32 @!p0 $0x0  }
0x12: {  	s1 =	sld [smem:$0x3F9B];
	s0 =	simm.s32 @p0 $0x1  }
0x13: {  	[smem:$0x3FB6] =	sst s0;
	s0 =	simm.s32 @!p1 $0x0  }
0x14: {  	s2 =	sld [smem:$0x3F9A];
	s0 =	simm.s32 @p1 $0x1  }
0x15: {  	[smem:$0x3FB7] =	sst s0;
	s0 =	simm.s32 @!p2 $0x0  }
0x16: {  	s3 =	sld [smem:$0x3FDB];
	s0 =	simm.s32 @p2 $0x1  }
0x17: {  	s4 =	simm.s32 $0x1BF5;
	[smem:$0x3FB9] =	sst s0  }
0x18: {  	s0 =	sld [smem:$0x3F9C];
	_ =	swait.ge [sflag:s4], $0x0  }
0x19: {  	s7 =	sld [smem:$0x3F9D]  }
0x1a: {  	s8 =	sadd.s32 $0xFFFFE003, lr  }
0x1b: {  	s9 =	sadd.s32 $0xFFFFFEF7, lr;
	s5 =	simm.s32 $0xFFFFFFFF;
	p2 =	slt.u32 s8, $0xFFFFF086  }
0x1c: {  	p1 =	slt.u32 s9, $0xF7A;
	s5 =	simm.s32 @!p2 $0x0  }
0x1d: {  	s5 =	simm.s32 @p1 $0x1;
	p0 =	seq.s32 s7, s2  }
0x1e: {  	s7 =	smul.u32 @!p0 $0xF7A, s2;
	p2 =	seq.s32 @!p0 s5, $0x0  }
0x1f: {  	s9 =	smul.u32 $0xF7A, s1;
	s8 =	simm.s32 @!p0 $0x1BF5;
	p2 =	por !p2, p0  }
0x20: {  	[sflag:s8] =	ssyncset.s32 @!p0 $0xFFFFF086;
	s6 =	sadd.s32 @!p0 s3, s7;
	s7 =	simm.s32 @!p0 $0x108  }
0x21: {  	s3 =	sadd.s32 s3, s9;
	s6 =	sadd.s32 @!p0 $0x88, s6;
	s7 =	simm.s32 @p2 $0x1082  }
0x22: {  	[simem:s7], [sflag:s8] =	dma.local @!p0 [hbm:s6], $0xF7A  }
0x23: {  	s9 =	sor.u32 $0xD0000000, s2;
	s6 =	simm.s32 $0x108;
	_ =	swait.ge @!p0 [sflag:s8], $0x0  }
0x24: {  	s3 =	sadd.s32 $0x88, s3;
	s6 =	simm.s32 @!p1 $0x1082;
	[sflag:s4] =	ssyncset.s32 $0xFFFFF086  }
0x25: {  	[simem:s6], [sflag:s4] =	dma.local [hbm:s3], $0xF7A  }
0x26: {  	[smem:$0x3F9D] =	sst s1;
	(tag) =	ssettag s2;
	_ =	strace s9  }
0x27: {  	s1 =	sld [smem:$0x3FAD]  }
0x28: {  	s2 =	sld [smem:$0x3FAE]  }
0x29: {  	s4 =	sld [smem:$0x3FB0]  }
0x2a: {  	p0 =	seq.s32 s5, $0x0;
	s5 =	sld [smem:$0x3FB1]  }
0x2b: {  	s6 =	sld [smem:$0x3FB2]  }
0x2c: {  	s7 =	sld [smem:$0x3FB3]  }
0x2d: {  	s3 =	simm.s32 $0x108;
	s8 =	sld [smem:$0x3FB4]  }
0x2e: {  	s3 =	simm.s32 @!p0 $0x1082;
	s9 =	sld [smem:$0x3FB5]  }
0x2f: {  	lr =	sadd.s32 s0, s3;
	s0 =	sld [smem:$0x3FAC]  }
0x30: {  	s3 =	sld [smem:$0x3FAF]  }
0x31: {  	[smem:$0x3FB8] =	sst s10  }
0x32: {  	s10 =	sld [smem:$0x3FB6];
	_ =	sdelay $0x3  }
0x33: {  	p0 =	seq.s32 s10, $0x1;
	s10 =	sld [smem:$0x3FB8];
	_ =	sdelay $0x3  }
0x34: {  	[smem:$0x3FB8] =	sst s10  }
0x35: {  	s10 =	sld [smem:$0x3FB7];
	_ =	sdelay $0x3  }
0x36: {  	p1 =	seq.s32 s10, $0x1;
	s10 =	sld [smem:$0x3FB8];
	_ =	sdelay $0x3  }
0x37: {  	[smem:$0x3FB8] =	sst s10  }
0x38: {  	s10 =	sld [smem:$0x3FB9]  }
0x39: {  	_ = 	snop;
	(pc) =	sbr.ind lr, $3  }
0x3a: {  	_ = 	snop  }
0x3b: {  	_ = 	snop  }
0x3c: {  	p2 =	seq.s32 s10, $0x1;
	s10 =	sld [smem:$0x3FB8]  }
0x3d: {  	_ =	shalt  }
0x3e: {  	_ =	shalt  }
0x3f: {  	_ =	shalt  }
0x40: {  	_ =	shalt  }
0x41: {  	_ =	shalt  }
0x42: {  	_ =	shalt  }
0x43: {  	_ =	shalt  }
0x44: {  	_ =	shalt  }
0x45: {  	_ =	shalt  }
0x46: {  	_ =	shalt  }
0x47: {  	_ =	shalt  }
0x48: {  	_ =	shalt  }
0x49: {  	_ =	shalt  }
0x4a: {  	_ =	shalt  }
0x4b: {  	_ =	shalt  }
0x4c: {  	_ =	shalt  }
0x4d: {  	_ =	shalt  }
0x4e: {  	_ =	shalt  }
0x4f: {  	_ =	shalt  }
0x50: {  	_ =	shalt  }
0x51: {  	_ =	shalt  }
0x52: {  	_ =	shalt  }
0x53: {  	_ =	shalt  }
0x54: {  	_ =	shalt  }
0x55: {  	_ =	shalt  }
0x56: {  	_ =	shalt  }
0x57: {  	_ =	shalt  }
0x58: {  	_ =	shalt  }
0x59: {  	_ =	shalt  }
0x5a: {  	_ =	shalt  }
0x5b: {  	_ =	shalt  }
0x5c: {  	_ =	shalt  }
0x5d: {  	_ =	shalt  }
0x5e: {  	_ =	shalt  }
0x5f: {  	_ =	shalt  }
0x60: {  	_ =	shalt  }
0x61: {  	_ =	shalt  }
0x62: {  	_ =	shalt  }
0x63: {  	_ =	shalt  }
0x64: {  	_ =	shalt  }
0x65: {  	_ =	shalt  }
0x66: {  	_ =	shalt  }
0x67: {  	_ =	shalt  }
0x68: {  	_ =	shalt  }
0x69: {  	_ =	shalt  }
0x6a: {  	_ =	shalt  }
0x6b: {  	_ =	shalt  }
0x6c: {  	_ =	shalt  }
0x6d: {  	_ =	shalt  }
0x6e: {  	_ =	shalt  }
0x6f: {  	_ =	shalt  }
0x70: {  	_ =	shalt  }
0x71: {  	_ =	shalt  }
0x72: {  	_ =	shalt  }
0x73: {  	_ =	shalt  }
0x74: {  	_ =	shalt  }
0x75: {  	_ =	shalt  }
0x76: {  	_ =	shalt  }
0x77: {  	_ =	shalt  }
0x78: {  	_ =	shalt  }
0x79: {  	_ =	shalt  }
0x7a: {  	_ =	shalt  }
0x7b: {  	_ =	shalt  }
0x7c: {  	_ =	shalt  }
0x7d: {  	_ =	shalt  }
0x7e: {  	_ =	shalt  }
0x7f: {  	_ =	shalt  }
0x80: {  	_ =	shalt  }
0x81: {  	_ =	shalt  }
0x82: {  	_ =	shalt  }
0x83: {  	_ =	shalt  }
0x84: {  	_ =	shalt  }
0x85: {  	_ =	shalt  }
0x86: {  	_ =	shalt  }
0x87: {  	_ =	shalt  }
.Lfunc_end0:
.L_simem_size_0:
called_computation.1_lowered:
.L_overlay_start_0:
0x88: {  	s2 =	sld [smem:$0x3FD9]  }
0x89: {  	s3 =	sld [smem:$0x3FFE];
	_ =	sdelay $0x1  }
0x8a: {  	s1 =	srdreg.scid  }
0x8b: {  	s0 =	sand.u32 $0x1, s1  }
0x8c: {  	s16 =	sshll.u32 s0, $0xA;
	s2 =	sadd.s32 s3, s2  }
0x8d: {  	s2 =	sadd.s32 s2, s16  }
0x8e: {  	[smem:$0x3FC4] =	sst s2  }
0x8f: {  	_ = 	snop  }
0x90: {  	(tm) =	ssettm $0x1  }
0x91: {  	s17 =	sld [smem:$0x3FFB];
	_ =	sdelay $0x3  }
0x92: {  	_ =	strace s17  }
0x93: {  	s2 =	sld [smem:$0x3FFC];
	_ =	sdelay $0x3  }
0x94: {  	_ =	strace s2  }
0x95: {  	s2 =	sld [smem:$0x3FFD];
	_ =	sdelay $0x3  }
0x96: {  	_ =	strace s2  }
0x97: {  	_ =	strace $0x8FFFFFFF  }
0x98: {  	s18 =	sld [smem:$0x3FDB];
	_ =	sdelay $0x1  }
0x99: {  	s19 =	simm.s32 $_scs_section_size  }
0x9a: {  	s4 =	simm.s32 $_size__tile_overlayer_lowered;
	s5 =	simm.s32 $_tile_overlayer_lowered  }
0x9b: {  	s22 =	simm.s32 $0x1BFF;
	s21 =	sshll.u32 s5, $0x1;
	s2 =	sadd.s32 s19, s18  }
0x9c: {  	s6 =	simm.s32 $0x0;
	s20 =	sshll.u32 s4, $0x1;
	s4 =	sadd.s32 s21, s2  }
0x9d: {  	[timem:s6], [sflag:s22] =	dma.local [hbm:s4], s20  }
0x9e: {  	_ =	swait.ge [sflag:s22], s20  }
0x9f: {  	s3 =	ssub.s32 $0x0, s20;
	[sflag:s22] =	ssyncset.done $0x0  }
0xa0: {  	[sflag:s22] =	ssyncadd.s32 s3;
	_ =	sdelay $0x1  }
0xa1: {  	s23 =	simm.s32 $0x1B8B  }
0xa2: {  	_ =	swait.ge [sflag:s23], $0x1  }
0xa3: {  	[sflag:s23] =	ssyncset.done $0x0  }
0xa4: {  	s25 =	simm.s32 $0x1B8E;
	s24 =	sld [smem:$0x3FFE];
	[sflag:s23] =	ssyncadd.s32 $0xFFFFFFFF  }
0xa5: {  	s26 =	simm.s32 $execute0_lowered;
	[smem:$0x3FD2] =	sst s25  }
0xa6: {  	s4 =	sshll.u32 s26, $0x1;
	_ =	strace $0x80000049;
	[dreg:$0x1] =	wrdreg $0xFFFFFFFF  }
0xa7: {  	s28 =	simm.s32 $_size_execute0_lowered;
	s2 =	sadd.s32 s2, s4;
	[dreg:$0x0] =	wrdreg $0x0  }
0xa8: {  	s4 =	sshll.u32 s28, $0x1;
	[dreg:$0x2] =	wrdreg s2  }
0xa9: {  	[dreg:$0x3] =	wrdreg s4  }
0xaa: {  	[dreg:$0x4] =	wrdreg $0xC0  }
0xab: {  	_ =	task [dreg:s6], $0x5FFFF  }
0xac: {  	[dreg:$0x1] =	wrdreg $0xFFFFFFFF  }
0xad: {  	[dreg:$0x0] =	wrdreg $0x60  }
0xae: {  	[dreg:$0x2] =	wrdreg s24  }
0xaf: {  	[dreg:$0x3] =	wrdreg $0xC3800  }
0xb0: {  	[dreg:$0x4] =	wrdreg $0x9  }
0xb1: {  	_ =	task.clear_ibuf [dreg:s6], $0x5FFFF;
	_ =	strace $0x90000049  }
0xb2: {  	s29 =	simm.s32 $0x9;
	_ =	strace $0x8000004B  }
0xb3: {  	_ =	swait.ge [sflag:s29], $0x1  }
0xb4: {  	[sflag:s29] =	ssyncadd.s32 $0xFFFFFFFF  }
0xb5: {  	_ =	strace $0x9000004B  }
0xb6: {  	_ =	sfence  }
0xb7: {  	s30 =	sld [smem:$0x0];
	_ =	sdelay $0x2  }
0xb8: {  	s31 =	sshll.u32 s1, $0xD;
	s1 =	sshrl.u32 s1, $0x2  }
0xb9: {  	s3 =	sand.u32 $0x4000, s31;
	s1 =	sadd.s32 s1, s30  }
0xba: {  	s0 =	sor.u32 s3, s0;
	s1 =	sshll.u32 s1, $0x11  }
0xbb: {  	s0 =	sor.u32 s1, s0  }
0xbc: {  	s0 =	sadd.s32 $0x8F2B, s0  }
0xbd: {  	[sflag:s0] =	ssyncadd.remote.s32 $0x1  }
0xbe: {  	_ =	sfence.sel $0xFFFF  }
0xbf: {  	[dreg:$0x0] =	wrdreg $0xFFFFFFFF;
	(pc) =	sbr.abs _section_cstart, $3  }
0xc0: {  	[dreg:$0x1] =	wrdreg $0xFFFFFFFF  }
0xc1: {  	_ =	task.clear_ibuf [dreg:s6], $0x2FFFF;
	_ =	strace $0x9FFFFFFF  }
0xc2: {  	(tm) =	ssettm $0x7FFFFFFF  }
0xc3: {  	_ =	shalt  }
tec
execute0_lowered:
.L_overlay_start_1:
0x0: {  	(tag) =	ssettag $0x1  }
0x1: {  	s0 =	rddreg [dreg:$0x0]  }
0x2: {  	s1 =	rddreg [dreg:$0x1]  }
0x3: {  	s3 =	stileid.u32;
	s2 =	simm.s32 $0x0;
	s5 =	srdreg.scid  }
0x4: {  	s17 =	simm.s32 $0xBC00;
	s18 =	simm.s32 $0xBB8;
	s20 =	simm.s32 $0xBC80  }
0x5: {  	s21 =	simm.s32 $0x1770;
	s22 =	simm.s32 $0xBD00;
	s23 =	simm.s32 $0x2328  }
0x6: {  	s24 =	simm.s32 $0xBD80;
	s25 =	simm.s32 $0x2EE0;
	s26 =	simm.s32 $0xBE00  }
0x7: {  	s11 =	simm.s32 $0x3A98;
	[smem:$0x7FF] =	sst s2;
	s10 =	sadd.s32 $0x800, s0  }
0x8: {  	s12 =	simm.s32 $0xBE80;
	_ =	strace $0x8000004A;
	[dreg:$0xd] =	wrdreg s10  }
0x9: {  	s13 =	simm.s32 $0x4650;
	s14 =	simm.s32 $0xBF00;
	[dreg:$0x4] =	wrdreg s17  }
0xa: {  	s28 =	simm.s32 $0x9858;
	s29 =	simm.s32 $0xC280;
	[dreg:$0x5] =	wrdreg s18  }
0xb: {  	s30 =	simm.s32 $0xA410;
	s4 =	smul.u32 $0x493E0, s3;
	[dreg:$0x6] =	wrdreg s20  }
0xc: {  	s31 =	simm.s32 $0xC300;
	s6 =	smul.u32 $0x3200, s3;
	[dreg:$0x7] =	wrdreg s21  }
0xd: {  	s5 =	sand.u32 $0x1, s5;
	p0 =	sne.s32 s3, $0x0;
	[dreg:$0x8] =	wrdreg s22  }
0xe: {  	s3 =	simm.s32 $0x0;
	s7 =	smul.u32 $0x1900, s5;
	[dreg:$0x9] =	wrdreg s23  }
0xf: {  	s8 =	smul.u32 $0x124F8, s5;
	s9 =	ssub.s32 $0x2, s5;
	[dreg:$0xa] =	wrdreg s24  }
0x10: {  	s5 =	smul.u32 $0x249F0, s5;
	[dreg:$0xb] =	wrdreg s25;
	s10 =	simm.s32 $0x7D  }
0x11: {  	[dreg:$0xc] =	wrdreg s26;
	s17 =	simm.s32 $0x5DC0;
	s18 =	simm.s32 $0xC000  }
0x12: {  	s20 =	simm.s32 $0xC080;
	s21 =	simm.s32 $0x7530;
	s22 =	simm.s32 $0xC100  }
0x13: {  	s23 =	simm.s32 $0x80E8;
	s24 =	simm.s32 $0xC180;
	s25 =	simm.s32 $0x8CA0  }
0x14: {  	s26 =	simm.s32 $0xC200;
	s4 =	sadd.s32 s4, s0;
	s6 =	sadd.s32 s6, s0  }
0x15: {  	s15 =	sshrl.u32 s9, $0x1;
	s6 =	sadd.s32 s7, s6;
	s0 =	sadd.s32 s8, s0  }
0x16: {  	s16 =	ssub.s32 s9, s15;
	s4 =	sadd.s32 s5, s4;
	s0 =	sadd.s32 $0x4D8C00, s0  }
0x17: {  	s8 =	simm.s32 $0x1;
	s6 =	sadd.s32 $0x12E00, s6;
	[dreg:$0xe] =	wrdreg s0  }
0x18: {  	s9 =	simm.s32 $0xBB80;
	s19 =	smax.u32 s16, $0x1;
	[dreg:$0x3] =	wrdreg s6  }
0x19: {  	s15 =	simm.s32 $0x5208;
	s4 =	sadd.s32 $0x44E00, s4;
	[dreg:$0xf] =	wrdreg s19  }
0x1a: {  	s16 =	simm.s32 $0xBF80;
	[dreg:$0x10] =	wrdreg s4;
	s6 =	sshrl.u32 @!p0 s1, $0x3  }
0x1b: {  	s19 =	simm.s32 $0x6978;
	s0 =	simm.s32 $0xAFC8;
	[dreg:$0x11] =	wrdreg s6  }
.LBB2_1:
0x1c: {  	s4 =	simm.s32 @!p0 $0x1C01;
	s5 =	rddreg [dreg:$0xd]  }
0x1d: {  	[spmem:s6], [sflag:s4] =	dma.local @!p0 [hbm:s5], $0x124F8  }
0x1e: {  	s4 =	simm.s32 @!p0 $0x1  }
0x1f: {  	_ =	swait.ge @!p0 [sflag:s4], $0x124F8  }
0x20: {  	[sflag:s4] =	ssyncset.done @!p0 $0x0  }
0x21: {  	[sflag:s4] =	ssyncadd.s32 @!p0 $0xFFFEDB08  }
0x22: {  	[bflag:$0x0] =	sbarrier.arrive $0xFFFF  }
0x23: {  	s5 =	rddreg [dreg:$0x10]  }
0x24: {  	[tilespmem:s2], [sflag:$0x1] =	stream.linear.gather [hbm4b:s5+s2], $0xBB80, $0x38;
	[tilespmem:$0x13D98] =	vst v63  }
0x25: {  	_ =	swait.ge [sflag:s8], $0xBB80  }
0x26: {  	s7 =	rddreg [dreg:$0x3];
	[sflag:s8] =	ssyncset.done $0x0  }
0x27: {  	[sflag:s8] =	ssyncadd.s32 $0xFFFF4480;
	s4 =	sadd.s32 $0x0, s7  }
0x28: {  	[tilespmem:s9], [sflag:$0x1] =	stream.linear.gather [hbm4b:s4+s2], $0x800, $0x38;
	[tilespmem:$0x13D98] =	vst v63  }
0x29: {  	_ =	swait.ge [sflag:s8], $0x800  }
0x2a: {  	[sflag:s8] =	ssyncset.done $0x0  }
0x2b: {  	[sflag:s8] =	ssyncadd.s32 $0xFFFFF800  }
0x2c: {  	[spmem:s1] =	stream.indirect.scatter.add.f32 [tilespmem:s2], [sflag:$0x1], $0x14, s9, s10, $0xb8;
	[tilespmem:$0x13D98] =	vst v63  }
0x2d: {  	_ =	swait.ge [sflag:s8], $0x9C4  }
0x2e: {  	s6 =	rddreg [dreg:$0x4];
	[sflag:s8] =	ssyncset.done $0x0  }
0x2f: {  	s7 =	rddreg [dreg:$0x5];
	[sflag:s8] =	ssyncadd.s32 $0xFFFFF63C  }
0x30: {  	[spmem:s1] =	stream.indirect.scatter.add.f32 [tilespmem:s7], [sflag:$0x1], $0x14, s6, s10, $0xb8;
	[tilespmem:$0x13D98] =	vst v63  }
0x31: {  	_ =	swait.ge [sflag:s8], $0x9C4  }
0x32: {  	s6 =	rddreg [dreg:$0x6];
	[sflag:s8] =	ssyncset.done $0x0  }
0x33: {  	s7 =	rddreg [dreg:$0x7];
	[sflag:s8] =	ssyncadd.s32 $0xFFFFF63C  }
0x34: {  	[spmem:s1] =	stream.indirect.scatter.add.f32 [tilespmem:s7], [sflag:$0x1], $0x14, s6, s10, $0xb8;
	[tilespmem:$0x13D98] =	vst v63  }
0x35: {  	_ =	swait.ge [sflag:s8], $0x9C4  }
0x36: {  	s6 =	rddreg [dreg:$0x8];
	[sflag:s8] =	ssyncset.done $0x0  }
0x37: {  	s7 =	rddreg [dreg:$0x9];
	[sflag:s8] =	ssyncadd.s32 $0xFFFFF63C  }
0x38: {  	[spmem:s1] =	stream.indirect.scatter.add.f32 [tilespmem:s7], [sflag:$0x1], $0x14, s6, s10, $0xb8;
	[tilespmem:$0x13D98] =	vst v63  }
0x39: {  	_ =	swait.ge [sflag:s8], $0x9C4  }
0x3a: {  	s6 =	rddreg [dreg:$0xa];
	[sflag:s8] =	ssyncset.done $0x0  }
0x3b: {  	s7 =	rddreg [dreg:$0xb];
	[sflag:s8] =	ssyncadd.s32 $0xFFFFF63C  }
0x3c: {  	[spmem:s1] =	stream.indirect.scatter.add.f32 [tilespmem:s7], [sflag:$0x1], $0x14, s6, s10, $0xb8;
	[tilespmem:$0x13D98] =	vst v63  }
0x3d: {  	_ =	swait.ge [sflag:s8], $0x9C4  }
0x3e: {  	[sflag:s8] =	ssyncset.done $0x0  }
0x3f: {  	s7 =	rddreg [dreg:$0xc];
	[sflag:s8] =	ssyncadd.s32 $0xFFFFF63C  }
0x40: {  	[spmem:s1] =	stream.indirect.scatter.add.f32 [tilespmem:s11], [sflag:$0x1], $0x14, s7, s10, $0xb8;
	[tilespmem:$0x13D98] =	vst v63  }
0x41: {  	_ =	swait.ge [sflag:s8], $0x9C4  }
0x42: {  	[sflag:s8] =	ssyncset.done $0x0  }
0x43: {  	[sflag:s8] =	ssyncadd.s32 $0xFFFFF63C  }
0x44: {  	[spmem:s1] =	stream.indirect.scatter.add.f32 [tilespmem:s13], [sflag:$0x1], $0x14, s12, s10, $0xb8;
	[tilespmem:$0x13D98] =	vst v63  }
0x45: {  	_ =	swait.ge [sflag:s8], $0x9C4  }
0x46: {  	[sflag:s8] =	ssyncset.done $0x0  }
0x47: {  	[sflag:s8] =	ssyncadd.s32 $0xFFFFF63C  }
0x48: {  	[spmem:s1] =	stream.indirect.scatter.add.f32 [tilespmem:s15], [sflag:$0x1], $0x14, s14, s10, $0xb8;
	[tilespmem:$0x13D98] =	vst v63  }
0x49: {  	_ =	swait.ge [sflag:s8], $0x9C4  }
0x4a: {  	[sflag:s8] =	ssyncset.done $0x0  }
0x4b: {  	[sflag:s8] =	ssyncadd.s32 $0xFFFFF63C  }
0x4c: {  	[spmem:s1] =	stream.indirect.scatter.add.f32 [tilespmem:s17], [sflag:$0x1], $0x14, s16, s10, $0xb8;
	[tilespmem:$0x13D98] =	vst v63  }
0x4d: {  	_ =	swait.ge [sflag:s8], $0x9C4  }
0x4e: {  	[sflag:s8] =	ssyncset.done $0x0  }
0x4f: {  	[sflag:s8] =	ssyncadd.s32 $0xFFFFF63C  }
0x50: {  	[spmem:s1] =	stream.indirect.scatter.add.f32 [tilespmem:s19], [sflag:$0x1], $0x14, s18, s10, $0xb8;
	[tilespmem:$0x13D98] =	vst v63  }
0x51: {  	_ =	swait.ge [sflag:s8], $0x9C4  }
0x52: {  	[sflag:s8] =	ssyncset.done $0x0  }
0x53: {  	[sflag:s8] =	ssyncadd.s32 $0xFFFFF63C  }
0x54: {  	[spmem:s1] =	stream.indirect.scatter.add.f32 [tilespmem:s21], [sflag:$0x1], $0x14, s20, s10, $0xb8;
	[tilespmem:$0x13D98] =	vst v63  }
0x55: {  	_ =	swait.ge [sflag:s8], $0x9C4  }
0x56: {  	[sflag:s8] =	ssyncset.done $0x0  }
0x57: {  	[sflag:s8] =	ssyncadd.s32 $0xFFFFF63C  }
0x58: {  	[spmem:s1] =	stream.indirect.scatter.add.f32 [tilespmem:s23], [sflag:$0x1], $0x14, s22, s10, $0xb8;
	[tilespmem:$0x13D98] =	vst v63  }
0x59: {  	_ =	swait.ge [sflag:s8], $0x9C4  }
0x5a: {  	[sflag:s8] =	ssyncset.done $0x0  }
0x5b: {  	[sflag:s8] =	ssyncadd.s32 $0xFFFFF63C  }
0x5c: {  	[spmem:s1] =	stream.indirect.scatter.add.f32 [tilespmem:s25], [sflag:$0x1], $0x14, s24, s10, $0xb8;
	[tilespmem:$0x13D98] =	vst v63  }
0x5d: {  	_ =	swait.ge [sflag:s8], $0x9C4  }
0x5e: {  	[sflag:s8] =	ssyncset.done $0x0  }
0x5f: {  	[sflag:s8] =	ssyncadd.s32 $0xFFFFF63C  }
0x60: {  	[spmem:s1] =	stream.indirect.scatter.add.f32 [tilespmem:s28], [sflag:$0x1], $0x14, s26, s10, $0xb8;
	[tilespmem:$0x13D98] =	vst v63  }
0x61: {  	_ =	swait.ge [sflag:s8], $0x9C4  }
0x62: {  	[sflag:s8] =	ssyncset.done $0x0  }
0x63: {  	[sflag:s8] =	ssyncadd.s32 $0xFFFFF63C  }
0x64: {  	[spmem:s1] =	stream.indirect.scatter.add.f32 [tilespmem:s30], [sflag:$0x1], $0x14, s29, s10, $0xb8;
	[tilespmem:$0x13D98] =	vst v63  }
0x65: {  	_ =	swait.ge [sflag:s8], $0x9C4  }
0x66: {  	s4 =	simm.s32 $0x100;
	s6 =	smov.u32 s5;
	[sflag:s8] =	ssyncset.done $0x0  }
.LBB2_2:
0x67: {  	[sflag:s8] =	ssyncadd.s32 $0xFFFFF63C  }
0x68: {  	[spmem:s1] =	stream.indirect.scatter.add.f32 [tilespmem:s0], [sflag:$0x1], $0x14, s31, s10, $0xb8;
	[tilespmem:$0x13D98] =	vst v63  }
0x69: {  	_ =	swait.ge [sflag:s8], $0x9C4  }
0x6a: {  	[sflag:s8] =	ssyncset.done $0x0  }
0x6b: {  	s6 =	sadd.s32 $0x1770, s6;
	[sflag:s8] =	ssyncadd.s32 $0xFFFFF63C  }
0x6c: {  	[tilespmem:s2], [sflag:$0x1] =	stream.linear.gather [hbm4b:s6+s2], $0xBB80, $0x38;
	[tilespmem:$0x13D98] =	vst v63  }
0x6d: {  	_ =	swait.ge [sflag:s8], $0xBB80  }
0x6e: {  	s5 =	smov.u32 s4;
	s7 =	rddreg [dreg:$0x3];
	[sflag:s8] =	ssyncset.done $0x0  }
0x6f: {  	[sflag:s8] =	ssyncadd.s32 $0xFFFF4480;
	s5 =	sadd.s32 s5, s7  }
0x70: {  	[tilespmem:s9], [sflag:$0x1] =	stream.linear.gather [hbm4b:s5+s2], $0x800, $0x38;
	[tilespmem:$0x13D98] =	vst v63  }
0x71: {  	_ =	swait.ge [sflag:s8], $0x800  }
0x72: {  	[sflag:s8] =	ssyncset.done $0x0  }
0x73: {  	[sflag:s8] =	ssyncadd.s32 $0xFFFFF800  }
0x74: {  	[spmem:s1] =	stream.indirect.scatter.add.f32 [tilespmem:s2], [sflag:$0x1], $0x14, s9, s10, $0xb8;
	[tilespmem:$0x13D98] =	vst v63  }
0x75: {  	_ =	swait.ge [sflag:s8], $0x9C4  }
0x76: {  	s5 =	rddreg [dreg:$0x4];
	[sflag:s8] =	ssyncset.done $0x0  }
0x77: {  	s7 =	rddreg [dreg:$0x5];
	[sflag:s8] =	ssyncadd.s32 $0xFFFFF63C  }
0x78: {  	[spmem:s1] =	stream.indirect.scatter.add.f32 [tilespmem:s7], [sflag:$0x1], $0x14, s5, s10, $0xb8;
	[tilespmem:$0x13D98] =	vst v63  }
0x79: {  	_ =	swait.ge [sflag:s8], $0x9C4  }
0x7a: {  	[sflag:s8] =	ssyncset.done $0x0;
	s5 =	rddreg [dreg:$0x6]  }
0x7b: {  	s7 =	rddreg [dreg:$0x7];
	[sflag:s8] =	ssyncadd.s32 $0xFFFFF63C  }
0x7c: {  	[spmem:s1] =	stream.indirect.scatter.add.f32 [tilespmem:s7], [sflag:$0x1], $0x14, s5, s10, $0xb8;
	[tilespmem:$0x13D98] =	vst v63  }
0x7d: {  	_ =	swait.ge [sflag:s8], $0x9C4  }
0x7e: {  	[sflag:s8] =	ssyncset.done $0x0;
	s5 =	rddreg [dreg:$0x8]  }
0x7f: {  	s7 =	rddreg [dreg:$0x9];
	[sflag:s8] =	ssyncadd.s32 $0xFFFFF63C  }
0x80: {  	[spmem:s1] =	stream.indirect.scatter.add.f32 [tilespmem:s7], [sflag:$0x1], $0x14, s5, s10, $0xb8;
	[tilespmem:$0x13D98] =	vst v63  }
0x81: {  	_ =	swait.ge [sflag:s8], $0x9C4  }
0x82: {  	[sflag:s8] =	ssyncset.done $0x0;
	s5 =	rddreg [dreg:$0xa]  }
0x83: {  	s7 =	rddreg [dreg:$0xb];
	[sflag:s8] =	ssyncadd.s32 $0xFFFFF63C  }
0x84: {  	[spmem:s1] =	stream.indirect.scatter.add.f32 [tilespmem:s7], [sflag:$0x1], $0x14, s5, s10, $0xb8;
	[tilespmem:$0x13D98] =	vst v63  }
0x85: {  	_ =	swait.ge [sflag:s8], $0x9C4  }
0x86: {  	[sflag:s8] =	ssyncset.done $0x0  }
0x87: {  	s7 =	rddreg [dreg:$0xc];
	[sflag:s8] =	ssyncadd.s32 $0xFFFFF63C  }
0x88: {  	[spmem:s1] =	stream.indirect.scatter.add.f32 [tilespmem:s11], [sflag:$0x1], $0x14, s7, s10, $0xb8;
	[tilespmem:$0x13D98] =	vst v63  }
0x89: {  	_ =	swait.ge [sflag:s8], $0x9C4  }
0x8a: {  	[sflag:s8] =	ssyncset.done $0x0  }
0x8b: {  	[sflag:s8] =	ssyncadd.s32 $0xFFFFF63C  }
0x8c: {  	[spmem:s1] =	stream.indirect.scatter.add.f32 [tilespmem:s13], [sflag:$0x1], $0x14, s12, s10, $0xb8;
	[tilespmem:$0x13D98] =	vst v63  }
0x8d: {  	_ =	swait.ge [sflag:s8], $0x9C4  }
0x8e: {  	[sflag:s8] =	ssyncset.done $0x0  }
0x8f: {  	[sflag:s8] =	ssyncadd.s32 $0xFFFFF63C  }
0x90: {  	[spmem:s1] =	stream.indirect.scatter.add.f32 [tilespmem:s15], [sflag:$0x1], $0x14, s14, s10, $0xb8;
	[tilespmem:$0x13D98] =	vst v63  }
0x91: {  	_ =	swait.ge [sflag:s8], $0x9C4  }
0x92: {  	[sflag:s8] =	ssyncset.done $0x0  }
0x93: {  	[sflag:s8] =	ssyncadd.s32 $0xFFFFF63C  }
0x94: {  	[spmem:s1] =	stream.indirect.scatter.add.f32 [tilespmem:s17], [sflag:$0x1], $0x14, s16, s10, $0xb8;
	[tilespmem:$0x13D98] =	vst v63  }
0x95: {  	_ =	swait.ge [sflag:s8], $0x9C4  }
0x96: {  	[sflag:s8] =	ssyncset.done $0x0  }
0x97: {  	[sflag:s8] =	ssyncadd.s32 $0xFFFFF63C  }
0x98: {  	[spmem:s1] =	stream.indirect.scatter.add.f32 [tilespmem:s19], [sflag:$0x1], $0x14, s18, s10, $0xb8;
	[tilespmem:$0x13D98] =	vst v63  }
0x99: {  	_ =	swait.ge [sflag:s8], $0x9C4  }
0x9a: {  	[sflag:s8] =	ssyncset.done $0x0  }
0x9b: {  	[sflag:s8] =	ssyncadd.s32 $0xFFFFF63C  }
0x9c: {  	[spmem:s1] =	stream.indirect.scatter.add.f32 [tilespmem:s21], [sflag:$0x1], $0x14, s20, s10, $0xb8;
	[tilespmem:$0x13D98] =	vst v63  }
0x9d: {  	_ =	swait.ge [sflag:s8], $0x9C4  }
0x9e: {  	[sflag:s8] =	ssyncset.done $0x0  }
0x9f: {  	[sflag:s8] =	ssyncadd.s32 $0xFFFFF63C  }
0xa0: {  	[spmem:s1] =	stream.indirect.scatter.add.f32 [tilespmem:s23], [sflag:$0x1], $0x14, s22, s10, $0xb8;
	[tilespmem:$0x13D98] =	vst v63  }
0xa1: {  	_ =	swait.ge [sflag:s8], $0x9C4  }
0xa2: {  	[sflag:s8] =	ssyncset.done $0x0  }
0xa3: {  	[sflag:s8] =	ssyncadd.s32 $0xFFFFF63C  }
0xa4: {  	[spmem:s1] =	stream.indirect.scatter.add.f32 [tilespmem:s25], [sflag:$0x1], $0x14, s24, s10, $0xb8;
	[tilespmem:$0x13D98] =	vst v63  }
0xa5: {  	_ =	swait.ge [sflag:s8], $0x9C4  }
0xa6: {  	[sflag:s8] =	ssyncset.done $0x0  }
0xa7: {  	[sflag:s8] =	ssyncadd.s32 $0xFFFFF63C  }
0xa8: {  	[spmem:s1] =	stream.indirect.scatter.add.f32 [tilespmem:s28], [sflag:$0x1], $0x14, s26, s10, $0xb8;
	[tilespmem:$0x13D98] =	vst v63  }
0xa9: {  	p1 =	sne.s32 s4, $0x1800;
	_ =	swait.ge [sflag:s8], $0x9C4  }
.Ltmp0:
0xaa: {  	[sflag:s8] =	ssyncset.done $0x0;
	(pc) =	sbr.rel @p1 .LBB2_2-.Ltmp0, $4  }
0xab: {  	[sflag:s8] =	ssyncadd.s32 $0xFFFFF63C  }
0xac: {  	[spmem:s1] =	stream.indirect.scatter.add.f32 [tilespmem:s30], [sflag:$0x1], $0x14, s29, s10, $0xb8;
	[tilespmem:$0x13D98] =	vst v63  }
0xad: {  	_ =	swait.ge [sflag:s8], $0x9C4  }
0xae: {  	s4 =	sadd.s32 $0x100, s4;
	[sflag:s8] =	ssyncset.done $0x0  }
0xaf: {  	[sflag:s8] =	ssyncadd.s32 $0xFFFFF63C  }
0xb0: {  	[spmem:s1] =	stream.indirect.scatter.add.f32 [tilespmem:s0], [sflag:$0x1], $0x14, s31, s10, $0xb8;
	[tilespmem:$0x13D98] =	vst v63  }
0xb1: {  	_ =	swait.ge [sflag:s8], $0x9C4  }
0xb2: {  	[sflag:s8] =	ssyncset.done $0x0  }
0xb3: {  	[sflag:s8] =	ssyncadd.s32 $0xFFFFF63C  }
0xb4: {  	[bflag:$0x0] =	sbarrier.arrive $0xFFFF  }
0xb5: {  	s5 =	rddreg [dreg:$0xe]  }
0xb6: {  	s4 =	simm.s32 @!p0 $0x1C01;
	s6 =	rddreg [dreg:$0x11]  }
0xb7: {  	[hbm:s5], [sflag:s4] =	dma.local @!p0 [spmem:s6], $0x124F8  }
0xb8: {  	s4 =	simm.s32 @!p0 $0x1  }
0xb9: {  	_ =	swait.ge @!p0 [sflag:s4], $0x124F8  }
0xba: {  	s3 =	sadd.s32 $0x1, s3;
	s7 =	rddreg [dreg:$0xf]  }
0xbb: {  	p1 =	sne.s32 s3, s7  }
.Ltmp1:
0xbc: {  	_ = 	snop;
	(pc) =	sbr.rel @p1 .LBB2_1-.Ltmp1, $3  }
0xbd: {  	_ =	sdelay $0x1  }
0xbe: {  	[sflag:s4] =	ssyncset.done @!p0 $0x0  }
0xbf: {  	[sflag:s4] =	ssyncadd.s32 @!p0 $0xFFFEDB08  }
0xc0: {  	_ =	sfence.sel $0x180000  }
0xc1: {  	[bflag:$0x0] =	sbarrier.arrive $0xFFFF  }
0xc2: {  	_ =	strace $0x9000004A  }
0xc3: {  	[bflag:$0x2] =	sbarrier.arrive $0xFFFF  }
0xc4: {  	s0 =	rddreg [dreg:$0x2]  }
0xc5: {  	s0 =	sadd.s32 @!p0 $0x100000, s0  }
0xc6: {  	[sflag:s0] =	ssyncadd.tile.s32 @!p0 $0x1;
	_ =	shalt  }
.Lfunc_end2:
_tile_overlayer_lowered:
.L_overlay_start_2:
0xc7: {  	(tag) =	ssettag $0x2  }
0xc8: {  	s0 =	rddreg [dreg:$0x0];
	s2 =	stileid.u32  }
0xc9: {  	s1 =	rddreg [dreg:$0x1];
	p0 =	sne.s32 s2, $0x0  }
0xca: {  	s3 =	rddreg [dreg:$0x2];
	[bflag:$0x3] =	sbarrier.arrive $0xFFFF;
	s2 =	simm.s32 @!p0 $0x1C01  }
0xcb: {  	[timem:s3], [sflag:s2] =	dma.local @!p0 [hbm:s0], s1  }
0xcc: {  	s0 =	simm.s32 @!p0 $0x1  }
0xcd: {  	_ =	swait.ge @!p0 [sflag:s0], s1  }
0xce: {  	s1 =	ssub.s32 @!p0 $0x0, s1;
	[sflag:s0] =	ssyncset.done @!p0 $0x0  }
0xcf: {  	[sflag:s0] =	ssyncadd.s32 @!p0 s1  }
0xd0: {  	[bflag:$0x3] =	sbarrier.arrive $0xFFFF  }
0xd1: {  	_ =	shalt  }

// kernel: sparse-core-data-format-call.cloned.1.call-start
scs
called_computation_lowered:
.L_overlay_start_0:
0x0: {  	s1 =	sld [smem:$0x3FD9]  }
0x1: {  	s2 =	sld [smem:$0x3FFE];
	_ =	sdelay $0x1  }
0x2: {  	s3 =	srdreg.scid  }
0x3: {  	s0 =	sand.u32 $0x1, s3  }
0x4: {  	s17 =	sshll.u32 s0, $0xA;
	s1 =	sadd.s32 s2, s1  }
0x5: {  	s1 =	sadd.s32 s1, s17  }
0x6: {  	[smem:$0x3FC4] =	sst s1  }
0x7: {  	_ = 	snop  }
0x8: {  	(tm) =	ssettm $0x1  }
0x9: {  	s18 =	sld [smem:$0x3FFB];
	_ =	sdelay $0x3  }
0xa: {  	_ =	strace s18  }
0xb: {  	s1 =	sld [smem:$0x3FFC];
	_ =	sdelay $0x3  }
0xc: {  	_ =	strace s1  }
0xd: {  	s1 =	sld [smem:$0x3FFD];
	_ =	sdelay $0x3  }
0xe: {  	_ =	strace s1  }
0xf: {  	_ =	strace $0x8FFFFFFF  }
0x10: {  	s19 =	sld [smem:$0x3FDB];
	_ =	sdelay $0x1  }
0x11: {  	s20 =	simm.s32 $_scs_section_size  }
0x12: {  	s4 =	simm.s32 $_size__tile_overlayer_lowered;
	s5 =	simm.s32 $_tile_overlayer_lowered  }
0x13: {  	s23 =	simm.s32 $0x1BFF;
	s22 =	sshll.u32 s5, $0x1;
	s1 =	sadd.s32 s20, s19  }
0x14: {  	s6 =	simm.s32 $0x0;
	s21 =	sshll.u32 s4, $0x1;
	s4 =	sadd.s32 s22, s1  }
0x15: {  	[timem:s6], [sflag:s23] =	dma.local [hbm:s4], s21  }
0x16: {  	_ =	swait.ge [sflag:s23], s21  }
0x17: {  	s2 =	ssub.s32 $0x0, s21;
	[sflag:s23] =	ssyncset.done $0x0  }
0x18: {  	[sflag:s23] =	ssyncadd.s32 s2;
	_ =	sdelay $0x1  }
0x19: {  	s24 =	simm.s32 $0x1B8B  }
0x1a: {  	_ =	swait.ge [sflag:s24], $0x1  }
0x1b: {  	[sflag:s24] =	ssyncset.done $0x0  }
0x1c: {  	s26 =	simm.s32 $0x1B8E;
	s25 =	sld [smem:$0x3FFE];
	[sflag:s24] =	ssyncadd.s32 $0xFFFFFFFF  }
0x1d: {  	s27 =	simm.s32 $execute0_lowered;
	[smem:$0x3FD2] =	sst s26  }
0x1e: {  	s4 =	sshll.u32 s27, $0x1;
	_ =	strace $0x80000046;
	[dreg:$0x1] =	wrdreg $0xFFFFFFFF  }
0x1f: {  	s28 =	simm.s32 $_size_execute0_lowered;
	s1 =	sadd.s32 s1, s4;
	[dreg:$0x0] =	wrdreg $0x0  }
0x20: {  	s4 =	sshll.u32 s28, $0x1;
	[dreg:$0x2] =	wrdreg s1  }
0x21: {  	[dreg:$0x3] =	wrdreg s4  }
0x22: {  	[dreg:$0x4] =	wrdreg $0xC0  }
0x23: {  	_ =	task [dreg:s6], $0x5FFFF  }
0x24: {  	[dreg:$0x1] =	wrdreg $0xFFFFFFFF  }
0x25: {  	[dreg:$0x0] =	wrdreg $0x60  }
0x26: {  	[dreg:$0x2] =	wrdreg s25  }
0x27: {  	[dreg:$0x3] =	wrdreg $0x9  }
0x28: {  	_ =	task.clear_ibuf [dreg:s6], $0x4FFFF;
	_ =	strace $0x90000046  }
0x29: {  	s29 =	simm.s32 $0x9;
	_ =	strace $0x80000048  }
0x2a: {  	_ =	swait.ge [sflag:s29], $0x1  }
0x2b: {  	[sflag:s29] =	ssyncadd.s32 $0xFFFFFFFF  }
0x2c: {  	_ =	strace $0x90000048  }
0x2d: {  	_ =	sfence  }
0x2e: {  	s30 =	sld [smem:$0x0];
	_ =	sdelay $0x2  }
0x2f: {  	s31 =	sshll.u32 s3, $0xD;
	s3 =	sshrl.u32 s3, $0x2  }
0x30: {  	s2 =	sand.u32 $0x4000, s31;
	s1 =	sadd.s32 s3, s30  }
0x31: {  	s0 =	sor.u32 s2, s0;
	s1 =	sshll.u32 s1, $0x11  }
0x32: {  	s0 =	sor.u32 s1, s0  }
0x33: {  	s0 =	sadd.s32 $0x8F2B, s0  }
0x34: {  	[sflag:s0] =	ssyncadd.remote.s32 $0x1  }
0x35: {  	_ =	sfence.sel $0xFFFF  }
0x36: {  	[dreg:$0x0] =	wrdreg $0xFFFFFFFF;
	(pc) =	sbr.abs _section_cstart, $3  }
0x37: {  	[dreg:$0x1] =	wrdreg $0xFFFFFFFF  }
0x38: {  	_ =	task.clear_ibuf [dreg:s6], $0x2FFFF;
	_ =	strace $0x9FFFFFFF  }
0x39: {  	(tm) =	ssettm $0x7FFFFFFF  }
tec
execute0_lowered:
.L_overlay_start_1:
0x0: {  	(tag) =	ssettag $0x1  }
0x1: {  	s0 =	srdreg.scid  }
0x2: {  	s1 =	sshll.u32 s0, $0x4  }
0x3: {  	s0 =	stileid.u32;
	s1 =	sand.u32 $0x10, s1  }
0x4: {  	s1 =	sor.u32 s0, s1  }
0x5: {  	s6 =	rddreg [dreg:$0x0];
	s7 =	simm.s32 $0x2;
	s2 =	sshll.u32 s1, $0x4  }
0x6: {  	s12 =	simm.s32 $0x0;
	s8 =	simm.s32 $0x80;
	s1 =	ssub.s32 $0x3200, s2  }
0x7: {  	s13 =	simm.s32 $0x0;
	s10 =	simm.s32 $0x0;
	s3 =	sand.u32 $0x1F0, s1  }
0x8: {  	s11 =	simm.s32 $0x0;
	p0 =	sne.s32 s3, $0x0;
	s3 =	simm.s32 $0x1  }
.Ltmp0:
0x9: {  	s4 =	sshrl.u32 s1, $0x9;
	s3 =	simm.s32 @!p0 $0x0;
	(pc) =	sbr.rel .LBB1_1-.Ltmp0, $4  }
0xa: {  	s5 =	sadd.s32 $0x3D1200, s6;
	s1 =	rddreg [dreg:$0x1];
	s4 =	sadd.s32 s3, s4  }
0xb: {  	_ =	strace $0x80000047;
	s3 =	simm.s32 $0x1;
	s4 =	smul.u32 $0x3, s4  }
0xc: {  	s6 =	sadd.s32 $0x7B9200, s6;
	s9 =	smov.u32 s2;
	[sflag:s3] =	ssyncpa.u1 $0x0  }
0xd: {  	p0 =	por $0x0, $0x0;
	[sflag:s7] =	ssyncpa.u1 $0x0;
	s7 =	sadd.s32 $0x1, s4  }
.LBB1_7:
0xe: {  	s14 =	sadd.s32 $0x200, s9  }
0xf: {  	s12 =	sadd.s32 $0x8, s10;
	s16 =	smov.u32 s10;
	p2 =	sgt.s32 s14, $0x31FF  }
0x10: {  	s16 =	smov.u32 @p2 s12  }
0x11: {  	s14 =	smov.u32 @p2 s2;
	p2 =	sgt.s32 s16, $0x13  }
0x12: {  	s16 =	simm.s32 @p2 $0x0;
	p2 =	sne.s32 s11, s7  }
.Ltmp1:
0x13: {  	p1 =	slt.u32 s11, $0x2;
	(pc) =	sbr.rel @!p2 .LBB1_8-.Ltmp1, $4  }
0x14: {  	s15 =	simm.s32 @!p1 $0x2  }
0x15: {  	s13 =	smov.u32 s10;
	p0 =	por !p0, !p0;
	_ =	swait.ge @!p1 [sflag:s15], $0x4000  }
0x16: {  	s12 =	smov.u32 s9;
	[sflag:s15] =	ssyncset.done @!p1 $0x0;
	s9 =	smov.u32 s14  }
0x17: {  	s11 =	sadd.s32 $0x1, s11;
	[sflag:s15] =	ssyncadd.s32 @!p1 $0xFFFFC000;
	s10 =	smov.u32 s16  }
.LBB1_1:
0x18: {  	p1 =	sge.u32 s11, s4  }
0x19: {  	s16 =	smov.u32 s10;
	s18 =	smov.u32 s9;
	p2 =	sgt.s32 @!p1 s10, $0xC  }
0x1a: {  	s14 =	sand.u32 @!p1 $0x1FFFFFF, s9;
	s17 =	sshra.s32 @!p1 s10, $0x1F;
	p2 =	por !p2, p1  }
0x1b: {  	s19 =	sshra.s32 @!p1 s9, $0x1F;
	s16 =	simm.s32 @p2 $0xC;
	p2 =	sgt.s32 @!p1 s9, $0x31F0  }
0x1c: {  	s15 =	smulhi.u32 @!p1 $0x147AE15, s14;
	s17 =	sand.u32 @!p1 s17, s10;
	p2 =	por !p2, p1  }
0x1d: {  	s16 =	ssub.s32 @!p1 s16, s17;
	s17 =	sand.u32 @!p1 s19, s9;
	s18 =	simm.s32 @p2 $0x31F0  }
0x1e: {  	s16 =	sadd.s32 @!p1 $0xFFFFFFF4, s16;
	s17 =	ssub.s32 @!p1 s18, s17  }
0x1f: {  	s15 =	sshrl.u32 @!p1 s15, $0x6;
	p2 =	sgt.s32 @!p1 s16, $0x7;
	s18 =	sadd.s32 @!p1 $0xFFFFCE10, s17  }
0x20: {  	s16 =	sshll.u32 @!p1 s16, $0x7;
	s17 =	ssub.s32 @!p1 $0x3200, s17;
	p3 =	sgt.s32 @!p1 s18, $0xF  }
0x21: {  	s16 =	ssub.s32 @!p1 $0x400, s16;
	p2 =	por !p2, p1;
	p3 =	por !p3, p1  }
0x22: {  	s15 =	smul.u32 @!p1 $0x3200, s15;
	s16 =	simm.s32 @!p2 $0x0;
	s17 =	simm.s32 @!p3 $0x0  }
0x23: {  	s18 =	sxor.u32 @!p1 $0xFFFFFFFF, s11;
	s16 =	smul.u32 @!p1 s17, s16  }
0x24: {  	s14 =	ssub.s32 @!p1 s14, s15;
	s17 =	sshll.u32 @!p1 s18, $0xE;
	s18 =	smul.u32 @!p1 $0x32000, s10  }
0x25: {  	s31 =	sadd.s32 $0xFFFFFFFF, s11;
	s14 =	sshll.u32 @!p1 s14, $0x4  }
0x26: {  	s17 =	sand.u32 @!p1 $0x4000, s17;
	s15 =	sand.u32 @!p1 $0x3FFFFF80, s16;
	s16 =	sadd.s32 @!p1 s5, s18  }
0x27: {  	s18 =	simm.s32 @!p1 $0x190000;
	s14 =	sadd.s32 @!p1 s14, s16;
	s16 =	simm.s32 @!p1 $0x800  }
0x28: {  	[tilespmem:s17], [sflag:$0x1] =	stream.strided.gather @!p1 [hbm4b:s14+s16], s15, s18, s16, $0x38;
	[tilespmem:$0x11000] =	vst v63  }
0x29: {  	p1 =	sge.u32 s31, s4  }
.Ltmp2:
0x2a: {  	_ = 	snop;
	(pc) =	sbr.rel @p1 .LBB1_7-.Ltmp2, $1  }
0x2b: {  	_ =	sdelay $0x3  }
0x2c: {  	s14 =	simm.s32 $0x1;
	p1 =	sgt.s32 s13, $0xC;
	s15 =	smov.u32 s13  }
0x2d: {  	s16 =	sshra.s32 s13, $0x1F;
	s17 =	smov.u32 s12;
	s18 =	sshra.s32 s12, $0x1F  }
0x2e: {  	s15 =	simm.s32 @!p1 $0xC;
	s16 =	sand.u32 s16, s13;
	p1 =	sgt.s32 s12, $0x31F0  }
0x2f: {  	s26 =	sand.u32 s18, s12;
	s15 =	ssub.s32 s15, s16;
	s17 =	simm.s32 @!p1 $0x31F0  }
0x30: {  	s14 =	simm.s32 @!p0 $0x0;
	s15 =	sadd.s32 $0xFFFFFFF4, s15;
	s16 =	ssub.s32 s17, s26  }
0x31: {  	p1 =	sgt.s32 s15, $0x7;
	s17 =	sadd.s32 $0xFFFFCE10, s16;
	s15 =	sshll.u32 s15, $0x7  }
0x32: {  	s16 =	ssub.s32 $0x3200, s16;
	p2 =	sgt.s32 s17, $0xF;
	s15 =	ssub.s32 $0x400, s15  }
0x33: {  	s27 =	smul.u32 $0x12000, s14;
	s16 =	simm.s32 @p2 $0x0;
	s15 =	simm.s32 @p1 $0x0  }
0x34: {  	s29 =	sand.u32 $0x1, s11;
	s15 =	smul.u32 s16, s15  }
0x35: {  	s17 =	smul.u32 $0x12000, s29  }
0x36: {  	s14 =	sshll.u32 s14, $0xE;
	s28 =	sshrl.u32 s27, $0x2;
	s30 =	sand.u32 $0x3FFFFF80, s15  }
0x37: {  	s16 =	sor.u32 $0x40, s14;
	s17 =	sshrl.u32 s17, $0x2;
	_ =	swait.ge [sflag:s3], s30  }
0x38: {  	s14 =	sor.u32 $0x8000, s17;
	s31 =	ssub.s32 $0x0, s30;
	[sflag:s3] =	ssyncset.done $0x0  }
0x39: {  	s17 =	simm.s32 $0x0;
	s15 =	sor.u32 $0x8000, s28;
	[sflag:s3] =	ssyncadd.s32 s31  }
.LBB1_3:
0x3a: {  	v0 =	vld [tilespmem:s16+$0x30]  }
0x3b: {  	v1 =	vld [tilespmem:s16+$0xFFFFFFD0]  }
0x3c: {  	v5 =	vld [tilespmem:s16+$0xFFFFFFE0]  }
0x3d: {  	v6 =	vld [tilespmem:s16+$0xFFFFFFF0]  }
0x3e: {  	s18 =	sadd.s32 $0x0, s15;
	v2 =	vld [tilespmem:s16+$0x0]  }
0x3f: {  	v3 =	vld [tilespmem:s16+$0x10];
	[tilespmem:s18+$0x3F0 ss:$0x9] =	vst.msk $0xffff, v0  }
0x40: {  	v4 =	vld [tilespmem:s16+$0x20];
	[tilespmem:s18+$0x90 ss:$0x9] =	vst.msk $0xffff, v1  }
0x41: {  	s19 =	sadd.s32 $0x80, s16;
	v0 =	vld [tilespmem:s16+$0xFFFFFFC0];
	[tilespmem:s18+$0x120 ss:$0x9] =	vst.msk $0xffff, v5  }
0x42: {  	s20 =	simm.s32 $0x1200;
	s21 =	simm.s32 $0x2400;
	v1 =	vld [tilespmem:s19+$0x30];
	[tilespmem:s18+$0x1B0 ss:$0x9] =	vst.msk $0xffff, v6  }
.LBB1_4:
0x43: {  	p1 =	sne.s32 s21, $0x10E00;
	v5 =	vld [tilespmem:s19+$0xFFFFFFD0];
	[tilespmem:s18+$0x240 ss:$0x9] =	vst.msk $0xffff, v2  }
0x44: {  	v6 =	vld [tilespmem:s19+$0xFFFFFFE0];
	[tilespmem:s18+$0x2D0 ss:$0x9] =	vst.msk $0xffff, v3  }
0x45: {  	s22 =	sshra.s32 s20, $0x2;
	s20 =	smov.u32 s21;
	v7 =	vld [tilespmem:s19+$0xFFFFFFF0];
	[tilespmem:s18+$0x360 ss:$0x9] =	vst.msk $0xffff, v4  }
.Ltmp3:
0x46: {  	v2 =	vld [tilespmem:s19+$0x0];
	[tilespmem:s18+$0x0 ss:$0x9] =	vst.msk $0xffff, v0;
	s18 =	sadd.s32 s22, s15;
	(pc) =	sbr.rel @p1 .LBB1_4-.Ltmp3, $4  }
0x47: {  	v3 =	vld [tilespmem:s19+$0x10];
	[tilespmem:s18+$0x3F0 ss:$0x9] =	vst.msk $0xffff, v1  }
0x48: {  	[tilespmem:s18+$0x90 ss:$0x9] =	vst.msk $0xffff, v5;
	v4 =	vld [tilespmem:s19+$0x20]  }
0x49: {  	v0 =	vld [tilespmem:s19+$0xFFFFFFC0];
	[tilespmem:s18+$0x120 ss:$0x9] =	vst.msk $0xffff, v6;
	s19 =	sadd.s32 $0x80, s19  }
0x4a: {  	s21 =	sadd.s32 $0x1200, s21;
	v1 =	vld [tilespmem:s19+$0x30];
	[tilespmem:s18+$0x1B0 ss:$0x9] =	vst.msk $0xffff, v7  }
0x4b: {  	v5 =	vld [tilespmem:s19+$0xFFFFFFD0];
	[tilespmem:s18+$0x240 ss:$0x9] =	vst.msk $0xffff, v2  }
0x4c: {  	v58 =	vld [tilespmem:s19+$0xFFFFFFE0];
	[tilespmem:s18+$0x2D0 ss:$0x9] =	vst.msk $0xffff, v3  }
0x4d: {  	s20 =	sshra.s32 s20, $0x2;
	v59 =	vld [tilespmem:s19+$0xFFFFFFF0];
	[tilespmem:s18+$0x360 ss:$0x9] =	vst.msk $0xffff, v4  }
0x4e: {  	v60 =	vld [tilespmem:s19+$0x0];
	s20 =	sadd.s32 s20, s15;
	[tilespmem:s18+$0x0 ss:$0x9] =	vst.msk $0xffff, v0  }
0x4f: {  	v61 =	vld [tilespmem:s19+$0x10];
	[tilespmem:s20+$0x3F0 ss:$0x9] =	vst.msk $0xffff, v1  }
0x50: {  	v62 =	vld [tilespmem:s19+$0x20];
	s17 =	sadd.s32 $0x1, s17;
	[tilespmem:s20+$0x90 ss:$0x9] =	vst.msk $0xffff, v5  }
0x51: {  	v63 =	vld [tilespmem:s19+$0xFFFFFFC0];
	p1 =	sne.s32 s17, $0x8;
	[tilespmem:s20+$0x120 ss:$0x9] =	vst.msk $0xffff, v58  }
.Ltmp4:
0x52: {  	[tilespmem:s20+$0x1B0 ss:$0x9] =	vst.msk $0xffff, v59;
	(pc) =	sbr.rel @p1 .LBB1_3-.Ltmp4, $4  }
0x53: {  	[tilespmem:s20+$0x240 ss:$0x9] =	vst.msk $0xffff, v60  }
0x54: {  	[tilespmem:s20+$0x2D0 ss:$0x9] =	vst.msk $0xffff, v61  }
0x55: {  	[tilespmem:s20+$0x360 ss:$0x9] =	vst.msk $0xffff, v62  }
0x56: {  	s16 =	sadd.s32 $0x800, s16;
	s15 =	sadd.s32 $0x1, s15;
	[tilespmem:s20+$0x0 ss:$0x9] =	vst.msk $0xffff, v63  }
.Ltmp5:
0x57: {  	s15 =	sand.u32 $0x780, s13;
	s12 =	sshll.u32 s12, $0xB;
	(pc) =	sbr.rel .LBB1_7-.Ltmp5, $4  }
0x58: {  	s16 =	sshrl.u32 s13, $0x3;
	s31 =	sand.u32 $0x7, s13;
	s15 =	sadd.s32 s6, s15  }
0x59: {  	s16 =	sand.u32 $0xF, s16;
	s13 =	sshll.u32 s31, $0x12;
	s12 =	sadd.s32 s12, s15  }
0x5a: {  	s13 =	sor.u32 $0x8, s13;
	s12 =	sadd.s32 s16, s12  }
0x5b: {  	[hbm4b:s12+s13] =	stream.strided.scatter [tilespmem:s14], [sflag:$0x2], $0x4000, s8, s13, $0x0;
	[tilespmem:$0x11000] =	vst v63  }
.LBB1_8:
0x5c: {  	_ =	sfence.sel $0x180000  }
0x5d: {  	s2 =	simm.s32 $0x1;
	[bflag:$0x0] =	sbarrier.arrive $0xFFFF  }
0x5e: {  	s31 =	simm.s32 $0x2;
	[sflag:s2] =	ssyncpa.u1 $0x1  }
0x5f: {  	[sflag:s31] =	ssyncpa.u1 $0x1  }
0x60: {  	p0 =	sne.s32 s0, $0x0;
	_ =	strace $0x90000047  }
0x61: {  	s0 =	sadd.s32 @!p0 $0x100000, s1;
	[bflag:$0x2] =	sbarrier.arrive $0xFFFF  }
0x62: {  	[sflag:s0] =	ssyncadd.tile.s32 @!p0 $0x1;
	_ =	shalt  }
.Lfunc_end1:
_tile_overlayer_lowered:
.L_overlay_start_2:
0x63: {  	(tag) =	ssettag $0x2  }
0x64: {  	s0 =	rddreg [dreg:$0x0];
	s2 =	stileid.u32  }
0x65: {  	s1 =	rddreg [dreg:$0x1];
	p0 =	sne.s32 s2, $0x0  }
0x66: {  	s3 =	rddreg [dreg:$0x2];
	[bflag:$0x3] =	sbarrier.arrive $0xFFFF;
	s2 =	simm.s32 @!p0 $0x1C01  }
0x67: {  	[timem:s3], [sflag:s2] =	dma.local @!p0 [hbm:s0], s1  }
0x68: {  	s0 =	simm.s32 @!p0 $0x1  }
0x69: {  	_ =	swait.ge @!p0 [sflag:s0], s1  }
0x6a: {  	s1 =	ssub.s32 @!p0 $0x0, s1;
	[sflag:s0] =	ssyncset.done @!p0 $0x0  }
0x6b: {  	[sflag:s0] =	ssyncadd.s32 @!p0 s1  }
0x6c: {  	[bflag:$0x3] =	sbarrier.arrive $0xFFFF  }
0x6d: {  	_ =	shalt  }

</sc_bundles>
